<compile_context>
chip_gen: v7x
topology: tpu7x:2x2x1
jax: 0.10.2.dev20260603
libtpu: 0.0.44.dev20260713+nightly
codegen_flags: <defaults>
</compile_context>

<pallas_src>
import functools

import jax
import jax.numpy as jnp
from jax import lax
from jax.experimental import pallas as pl
from jax.experimental.pallas import tpu as pltpu
from jax.experimental.pallas import tpu_sc as plsc

N = 10000
E = 320000
D = 128
NC = 2
NS = 16
NW = NC * NS
EPW = E // NW
C = 48
NCHUNK = EPW // C
TAIL = EPW - NCHUNK * C
RPT = 624
REM = N - NS * RPT
DW = 16

_mesh = plsc.VectorSubcoreMesh(core_axis_name="c", subcore_axis_name="s")


@functools.partial(
    pl.kernel,
    mesh=_mesh,
    compiler_params=pltpu.CompilerParams(use_tc_tiling_on_sc=False),
    out_type=(
        jax.ShapeDtypeStruct((NC, N, D), jnp.float32),
        jax.ShapeDtypeStruct((NC, N, DW), jnp.float32),
    ),
    scratch_types=[
        pltpu.VMEM_SHARED((N, D), jnp.float32),
        pltpu.VMEM_SHARED((N, DW), jnp.float32),
        pltpu.VMEM((EPW,), jnp.int32),
        [pltpu.VMEM((C,), jnp.int32) for _ in range(2)],
        pltpu.VMEM((TAIL,), jnp.int32),
        pltpu.VMEM((TAIL,), jnp.int32),
        [pltpu.VMEM((C, D), jnp.float32) for _ in range(2)],
        [pltpu.VMEM((C, D), jnp.float32) for _ in range(2)],
        pltpu.VMEM((C, DW), jnp.float32),
        [pltpu.SemaphoreType.DMA for _ in range(2)],
        [pltpu.SemaphoreType.DMA for _ in range(2)],
        [pltpu.SemaphoreType.DMA for _ in range(2)],
        [pltpu.SemaphoreType.DMA for _ in range(2)],
    ],
)
def _sc_segment_sum(src_hbm, dst_hbm, node_hbm, edge_hbm, z_acc_hbm, z_deg_hbm,
                    ones_hbm, acc_out, deg_out,
                    acc_sp, deg_sp, sidx_all, didx, tidx, tsidx, grows, erows,
                    ones_v, sem_i, sem_g, sem_e, scat_sem):
    cid = lax.axis_index("c")
    sid = lax.axis_index("s")
    wid = cid * NS + sid
    r0 = sid * RPT
    e0 = wid * EPW

    pltpu.sync_copy(src_hbm.at[pl.ds(e0, EPW)], sidx_all)
    pltpu.sync_copy(z_acc_hbm, acc_sp.at[pl.ds(r0, RPT)])
    pltpu.sync_copy(z_deg_hbm, deg_sp.at[pl.ds(r0, RPT)])

    @pl.when(sid == NS - 1)
    def _():
        pltpu.sync_copy(z_acc_hbm.at[pl.ds(0, REM)],
                        acc_sp.at[pl.ds(NS * RPT, REM)])
        pltpu.sync_copy(z_deg_hbm.at[pl.ds(0, REM)],
                        deg_sp.at[pl.ds(NS * RPT, REM)])

    pltpu.sync_copy(ones_hbm, ones_v)
    plsc.subcore_barrier()

    pltpu.sync_copy(dst_hbm.at[pl.ds(e0 + NCHUNK * C, TAIL)], tidx)
    pltpu.sync_copy(src_hbm.at[pl.ds(e0 + NCHUNK * C, TAIL)], tsidx)
    cp = pltpu.async_copy(node_hbm.at[tsidx], grows[0].at[pl.ds(0, TAIL)],
                          sem_g[0])
    pltpu.sync_copy(edge_hbm.at[pl.ds(e0 + NCHUNK * C, TAIL)],
                    erows[0].at[pl.ds(0, TAIL)])
    cp.wait()
    pltpu.sync_copy(grows[0].at[pl.ds(0, TAIL)], acc_sp.at[tidx], add=True)
    pltpu.sync_copy(erows[0].at[pl.ds(0, TAIL)], acc_sp.at[tidx], add=True)
    pltpu.sync_copy(ones_v.at[pl.ds(0, TAIL)], deg_sp.at[tidx], add=True)

    def issue(c, b):
        pltpu.async_copy(dst_hbm.at[pl.ds(e0 + c * C, C)], didx[b], sem_i[b])
        pltpu.async_copy(node_hbm.at[sidx_all.at[pl.ds(c * C, C)]], grows[b],
                         sem_g[b])
        pltpu.async_copy(edge_hbm.at[pl.ds(e0 + c * C, C)], erows[b],
                         sem_e[b])

    def complete_and_scatter(c, b):
        pltpu.make_async_copy(dst_hbm.at[pl.ds(e0 + c * C, C)], didx[b],
                              sem_i[b]).wait()
        pltpu.make_async_copy(node_hbm.at[sidx_all.at[pl.ds(c * C, C)]],
                              grows[b], sem_g[b]).wait()
        pltpu.make_async_copy(edge_hbm.at[pl.ds(e0 + c * C, C)], erows[b],
                              sem_e[b]).wait()
        pltpu.async_copy(grows[b], acc_sp.at[didx[b]], scat_sem[b], add=True)
        pltpu.async_copy(erows[b], acc_sp.at[didx[b]], scat_sem[b], add=True)
        pltpu.async_copy(ones_v, deg_sp.at[didx[b]], scat_sem[b], add=True)

    def drain_scatters(b):
        pltpu.make_async_copy(grows[b], acc_sp.at[didx[b]],
                              scat_sem[b]).wait()
        pltpu.make_async_copy(erows[b], acc_sp.at[didx[b]],
                              scat_sem[b]).wait()
        pltpu.make_async_copy(ones_v, deg_sp.at[didx[b]],
                              scat_sem[b]).wait()

    def pipe_pair(i, carry):
        for b in range(2):
            c = 2 * i + b

            @pl.when(jnp.logical_and(c >= 2, c <= NCHUNK + 1))
            def _():
                drain_scatters(b)

            @pl.when(c < NCHUNK)
            def _():
                issue(c, b)

            @pl.when(jnp.logical_and(c >= 1, c <= NCHUNK))
            def _():
                complete_and_scatter(c - 1, 1 - b)

        return carry

    lax.fori_loop(0, (NCHUNK + 2) // 2, pipe_pair, 0)
    plsc.subcore_barrier()

    pltpu.sync_copy(acc_sp.at[pl.ds(r0, RPT)], acc_out.at[cid, pl.ds(r0, RPT)])
    pltpu.sync_copy(deg_sp.at[pl.ds(r0, RPT)], deg_out.at[cid, pl.ds(r0, RPT)])

    @pl.when(sid == NS - 1)
    def _():
        pltpu.sync_copy(acc_sp.at[pl.ds(NS * RPT, REM)],
                        acc_out.at[cid, pl.ds(NS * RPT, REM)])
        pltpu.sync_copy(deg_sp.at[pl.ds(NS * RPT, REM)],
                        deg_out.at[cid, pl.ds(NS * RPT, REM)])


BLK = 1000


def _combine_body(eps_ref, node_ref, acc_ref, deg_ref, out_ref):
    deg = deg_ref[0, :, 0:1] + deg_ref[1, :, 0:1]
    neigh = (acc_ref[0] + acc_ref[1]) / jnp.maximum(deg, 1.0)
    out_ref[...] = (1.0 + eps_ref[0]) * node_ref[...] + neigh


_combine = pl.pallas_call(
    _combine_body,
    grid=(N // BLK,),
    in_specs=[
        pl.BlockSpec(memory_space=pltpu.SMEM),
        pl.BlockSpec((BLK, D), lambda i: (i, 0)),
        pl.BlockSpec((NC, BLK, D), lambda i: (0, i, 0)),
        pl.BlockSpec((NC, BLK, DW), lambda i: (0, i, 0)),
    ],
    out_specs=pl.BlockSpec((BLK, D), lambda i: (i, 0)),
    out_shape=jax.ShapeDtypeStruct((N, D), jnp.float32),
)


@jax.jit
def kernel(node_feat, edge_feat, edge_index, eps):
    src = edge_index[0]
    dst = edge_index[1]
    z_acc = jnp.zeros((RPT, D), jnp.float32)
    z_deg = jnp.zeros((RPT, DW), jnp.float32)
    ones = jnp.ones((C, DW), jnp.float32)
    acc, deg = _sc_segment_sum(src, dst, node_feat, edge_feat, z_acc, z_deg,
                               ones)
    return _combine(eps, node_feat, acc, deg)

# --- scband reference (transcript-rebuilt; emitter-appended) ---
"""Pipeline reference for scband-gcnconv-28716151341437 (READ-ONLY COPY).

The authoritative reference and input builder live on the scoring server;
editing this copy changes nothing except your own understanding.
"""

import jax, jax.numpy as jnp
import numpy as np

N = 10000
E = 320000
D = 128

def setup_inputs(seed: int = 0) -> dict:
    key = jax.random.key(seed)
    k1, k2, k3 = jax.random.split(key, 3)
    node_feat = jax.random.normal(k1, (N, D), dtype=jnp.float32)
    edge_feat = jax.random.normal(k2, (E, D), dtype=jnp.float32)
    edge_index = jax.random.randint(k3, (2, E), 0, N, dtype=jnp.int32)
    eps = jnp.zeros((1,), dtype=jnp.float32)  # buffer, learn_eps=False, init_eps=0
    return {"node_feat": node_feat, "edge_feat": edge_feat, "edge_index": edge_index, "eps": eps}

def reference(node_feat, edge_feat, edge_index, eps):
    # DGL: graph.update_all(fn.u_add_e('h_n','h_e','m'), fn.mean('m','neigh'))
    src = edge_index[0]
    dst = edge_index[1]
    m = jnp.take(node_feat, src, axis=0) + edge_feat          # message: u_add_e
    summed = jax.ops.segment_sum(m, dst, num_segments=N)      # scatter-add by dst
    deg = jax.ops.segment_sum(jnp.ones((E,), dtype=node_feat.dtype), dst, num_segments=N)
    neigh = summed / jnp.maximum(deg, 1.0)[:, None]           # mean reducer (0 for isolated nodes)
    rst = (1.0 + eps[0]) * node_feat + neigh                  # apply_func is None
    return rst

if __name__ == "__main__":
    import jax
    _d = setup_inputs()
    print(jax.jit(kernel)(*tuple(_d.values())))

</pallas_src>

<mosaic_0001>
#map = affine_map<(d0, d1) -> (0)>
#map1 = affine_map<(d0, d1) -> (0, 0)>
#map2 = affine_map<(d0, d1) -> (0, 0, 0)>
module attributes {stable_mosaic.version = 14 : i64} {
  func.func @_sc_segment_sum(%arg0: i32, %arg1: i32, %arg2: memref<320000xi32, #tpu.memory_space<hbm>>, %arg3: memref<320000xi32, #tpu.memory_space<hbm>>, %arg4: memref<10000x128xf32, #tpu.memory_space<hbm>>, %arg5: memref<320000x128xf32, #tpu.memory_space<hbm>>, %arg6: memref<624x128xf32, #tpu.memory_space<hbm>>, %arg7: memref<624x16xf32, #tpu.memory_space<hbm>>, %arg8: memref<48x16xf32, #tpu.memory_space<hbm>>, %arg9: memref<2x10000x128xf32, #tpu.memory_space<hbm>>, %arg10: memref<2x10000x16xf32, #tpu.memory_space<hbm>>, %arg11: memref<10000x128xf32, #tpu.memory_space<vmem_shared>>, %arg12: memref<10000x16xf32, #tpu.memory_space<vmem_shared>>, %arg13: memref<10000xi32, #tpu.memory_space<vmem>>, %arg14: memref<48xi32, #tpu.memory_space<vmem>>, %arg15: memref<48xi32, #tpu.memory_space<vmem>>, %arg16: memref<16xi32, #tpu.memory_space<vmem>>, %arg17: memref<16xi32, #tpu.memory_space<vmem>>, %arg18: memref<48x128xf32, #tpu.memory_space<vmem>>, %arg19: memref<48x128xf32, #tpu.memory_space<vmem>>, %arg20: memref<48x128xf32, #tpu.memory_space<vmem>>, %arg21: memref<48x128xf32, #tpu.memory_space<vmem>>, %arg22: memref<48x16xf32, #tpu.memory_space<vmem>>, %arg23: memref<!tpu.dma_semaphore, #tpu.memory_space<semaphore_mem>>, %arg24: memref<!tpu.dma_semaphore, #tpu.memory_space<semaphore_mem>>, %arg25: memref<!tpu.dma_semaphore, #tpu.memory_space<semaphore_mem>>, %arg26: memref<!tpu.dma_semaphore, #tpu.memory_space<semaphore_mem>>, %arg27: memref<!tpu.dma_semaphore, #tpu.memory_space<semaphore_mem>>, %arg28: memref<!tpu.dma_semaphore, #tpu.memory_space<semaphore_mem>>, %arg29: memref<!tpu.dma_semaphore, #tpu.memory_space<semaphore_mem>>, %arg30: memref<!tpu.dma_semaphore, #tpu.memory_space<semaphore_mem>>) attributes {dimension_semantics = [#tpu.dimension_semantics<core_parallel>, #tpu.dimension_semantics<subcore_parallel>], iteration_bounds = array<i64: 2, 16>, scalar_prefetch = 0 : i64, scratch_operands = 20 : i64, tpu.core_type = #tpu.core_type<sc_vector_subcore>, window_params = [{transform_indices = #map}, {transform_indices = #map}, {transform_indices = #map1}, {transform_indices = #map1}, {transform_indices = #map1}, {transform_indices = #map1}, {transform_indices = #map1}, {transform_indices = #map2}, {transform_indices = #map2}]} {
    %mul3A = arith.constant 16 : i32
    %mul3A_0 = arith.muli %arg0, %mul3A : i32
    %add3A = arith.addi %mul3A_0, %arg1 : i32
    %mul3A_1 = arith.constant 624 : i32
    %mul3A_2 = arith.muli %arg1, %mul3A_1 : i32
    %mul3A_3 = arith.constant 10000 : i32
    %mul3A_4 = arith.muli %add3A, %mul3A_3 : i32
    "tpu.region"() ({
      %run_scoped3A = tpu.sem_alloc : memref<!tpu.dma_semaphore, #tpu.memory_space<semaphore_mem>>
      %dma_start3A_34 = tpu.memref_slice %arg2[%mul3A_4] : memref<320000xi32, #tpu.memory_space<hbm>> -> memref<10000xi32, #tpu.memory_space<hbm>>
      %dma_start3A_35 = tpu.memref_slice %arg2[%mul3A_4] : memref<320000xi32, #tpu.memory_space<hbm>> -> memref<10000xi32, #tpu.memory_space<hbm>>
      tpu.enqueue_dma source(%dma_start3A_35 : memref<10000xi32, #tpu.memory_space<hbm>>) target(%arg13 : memref<10000xi32, #tpu.memory_space<vmem>>) target_semaphore(%run_scoped3A : memref<!tpu.dma_semaphore, #tpu.memory_space<semaphore_mem>>)
      %dma_wait3A_36 = tpu.memref_slice %arg2[%mul3A_4] : memref<320000xi32, #tpu.memory_space<hbm>> -> memref<10000xi32, #tpu.memory_space<hbm>>
      %dma_wait3A_37 = tpu.memref_slice %arg2[%mul3A_4] : memref<320000xi32, #tpu.memory_space<hbm>> -> memref<10000xi32, #tpu.memory_space<hbm>>
      tpu.wait_dma2 semaphore(%run_scoped3A : memref<!tpu.dma_semaphore, #tpu.memory_space<semaphore_mem>>) src(%dma_wait3A_37 : memref<10000xi32, #tpu.memory_space<hbm>>) dst(%arg13 : memref<10000xi32, #tpu.memory_space<vmem>>)
      tpu.yield
    }) : () -> ()
    "tpu.region"() ({
      %run_scoped3A = tpu.sem_alloc : memref<!tpu.dma_semaphore, #tpu.memory_space<semaphore_mem>>
      %dma_start3A_34 = arith.constant 0 : i32
      %dma_start3A_35 = tpu.memref_slice %arg11[%mul3A_2, %dma_start3A_34] : memref<10000x128xf32, #tpu.memory_space<vmem_shared>> -> memref<624x128xf32, #tpu.memory_space<vmem_shared>>
      tpu.enqueue_dma source(%arg6 : memref<624x128xf32, #tpu.memory_space<hbm>>) target(%dma_start3A_35 : memref<624x128xf32, #tpu.memory_space<vmem_shared>>) target_semaphore(%run_scoped3A : memref<!tpu.dma_semaphore, #tpu.memory_space<semaphore_mem>>)
      %dma_wait3A_36 = arith.constant 0 : i32
      %dma_wait3A_37 = tpu.memref_slice %arg11[%mul3A_2, %dma_wait3A_36] : memref<10000x128xf32, #tpu.memory_space<vmem_shared>> -> memref<624x128xf32, #tpu.memory_space<vmem_shared>>
      tpu.wait_dma2 semaphore(%run_scoped3A : memref<!tpu.dma_semaphore, #tpu.memory_space<semaphore_mem>>) src(%arg6 : memref<624x128xf32, #tpu.memory_space<hbm>>) dst(%dma_wait3A_37 : memref<624x128xf32, #tpu.memory_space<vmem_shared>>)
      tpu.yield
    }) : () -> ()
    "tpu.region"() ({
      %run_scoped3A = tpu.sem_alloc : memref<!tpu.dma_semaphore, #tpu.memory_space<semaphore_mem>>
      %dma_start3A_34 = arith.constant 0 : i32
      %dma_start3A_35 = tpu.memref_slice %arg12[%mul3A_2, %dma_start3A_34] : memref<10000x16xf32, #tpu.memory_space<vmem_shared>> -> memref<624x16xf32, #tpu.memory_space<vmem_shared>>
      tpu.enqueue_dma source(%arg7 : memref<624x16xf32, #tpu.memory_space<hbm>>) target(%dma_start3A_35 : memref<624x16xf32, #tpu.memory_space<vmem_shared>>) target_semaphore(%run_scoped3A : memref<!tpu.dma_semaphore, #tpu.memory_space<semaphore_mem>>)
      %dma_wait3A_36 = arith.constant 0 : i32
      %dma_wait3A_37 = tpu.memref_slice %arg12[%mul3A_2, %dma_wait3A_36] : memref<10000x16xf32, #tpu.memory_space<vmem_shared>> -> memref<624x16xf32, #tpu.memory_space<vmem_shared>>
      tpu.wait_dma2 semaphore(%run_scoped3A : memref<!tpu.dma_semaphore, #tpu.memory_space<semaphore_mem>>) src(%arg7 : memref<624x16xf32, #tpu.memory_space<hbm>>) dst(%dma_wait3A_37 : memref<624x16xf32, #tpu.memory_space<vmem_shared>>)
      tpu.yield
    }) : () -> ()
    %eq3A = arith.constant 15 : i32
    %eq3A_5 = arith.cmpi eq, %arg1, %eq3A : i32
    %convert_element_type3A = arith.extui %eq3A_5 : i1 to i32
    %cond3A = arith.constant 0 : i32
    %cond3A_6 = arith.cmpi ne, %convert_element_type3A, %cond3A : i32
    scf.if %cond3A_6 {
      "tpu.region"() ({
        %run_scoped3A = tpu.sem_alloc : memref<!tpu.dma_semaphore, #tpu.memory_space<semaphore_mem>>
        %dma_start3A_34 = arith.constant 9984 : i32
        %dma_start3A_35 = arith.constant 0 : i32
        %dma_start3A_36 = tpu.memref_slice %arg11[%dma_start3A_34, %dma_start3A_35] : memref<10000x128xf32, #tpu.memory_space<vmem_shared>> -> memref<16x128xf32, #tpu.memory_space<vmem_shared>>
        %dma_start3A_37 = arith.constant 0 : i32
        %dma_start3A_38 = arith.constant 0 : i32
        %dma_start3A_39 = tpu.memref_slice %arg6[%dma_start3A_37, %dma_start3A_38] : memref<624x128xf32, #tpu.memory_space<hbm>> -> memref<16x128xf32, #tpu.memory_space<hbm>>
        tpu.enqueue_dma source(%dma_start3A_39 : memref<16x128xf32, #tpu.memory_space<hbm>>) target(%dma_start3A_36 : memref<16x128xf32, #tpu.memory_space<vmem_shared>>) target_semaphore(%run_scoped3A : memref<!tpu.dma_semaphore, #tpu.memory_space<semaphore_mem>>)
        %dma_wait3A_40 = arith.constant 9984 : i32
        %dma_wait3A_41 = arith.constant 0 : i32
        %dma_wait3A_42 = tpu.memref_slice %arg11[%dma_wait3A_40, %dma_wait3A_41] : memref<10000x128xf32, #tpu.memory_space<vmem_shared>> -> memref<16x128xf32, #tpu.memory_space<vmem_shared>>
        %dma_wait3A_43 = arith.constant 0 : i32
        %dma_wait3A_44 = arith.constant 0 : i32
        %dma_wait3A_45 = tpu.memref_slice %arg6[%dma_wait3A_43, %dma_wait3A_44] : memref<624x128xf32, #tpu.memory_space<hbm>> -> memref<16x128xf32, #tpu.memory_space<hbm>>
        tpu.wait_dma2 semaphore(%run_scoped3A : memref<!tpu.dma_semaphore, #tpu.memory_space<semaphore_mem>>) src(%dma_wait3A_45 : memref<16x128xf32, #tpu.memory_space<hbm>>) dst(%dma_wait3A_42 : memref<16x128xf32, #tpu.memory_space<vmem_shared>>)
        tpu.yield
      }) : () -> ()
      "tpu.region"() ({
        %run_scoped3A = tpu.sem_alloc : memref<!tpu.dma_semaphore, #tpu.memory_space<semaphore_mem>>
        %dma_start3A_34 = arith.constant 9984 : i32
        %dma_start3A_35 = arith.constant 0 : i32
        %dma_start3A_36 = tpu.memref_slice %arg12[%dma_start3A_34, %dma_start3A_35] : memref<10000x16xf32, #tpu.memory_space<vmem_shared>> -> memref<16x16xf32, #tpu.memory_space<vmem_shared>>
        %dma_start3A_37 = arith.constant 0 : i32
        %dma_start3A_38 = arith.constant 0 : i32
        %dma_start3A_39 = tpu.memref_slice %arg7[%dma_start3A_37, %dma_start3A_38] : memref<624x16xf32, #tpu.memory_space<hbm>> -> memref<16x16xf32, #tpu.memory_space<hbm>>
        tpu.enqueue_dma source(%dma_start3A_39 : memref<16x16xf32, #tpu.memory_space<hbm>>) target(%dma_start3A_36 : memref<16x16xf32, #tpu.memory_space<vmem_shared>>) target_semaphore(%run_scoped3A : memref<!tpu.dma_semaphore, #tpu.memory_space<semaphore_mem>>)
        %dma_wait3A_40 = arith.constant 9984 : i32
        %dma_wait3A_41 = arith.constant 0 : i32
        %dma_wait3A_42 = tpu.memref_slice %arg12[%dma_wait3A_40, %dma_wait3A_41] : memref<10000x16xf32, #tpu.memory_space<vmem_shared>> -> memref<16x16xf32, #tpu.memory_space<vmem_shared>>
        %dma_wait3A_43 = arith.constant 0 : i32
        %dma_wait3A_44 = arith.constant 0 : i32
        %dma_wait3A_45 = tpu.memref_slice %arg7[%dma_wait3A_43, %dma_wait3A_44] : memref<624x16xf32, #tpu.memory_space<hbm>> -> memref<16x16xf32, #tpu.memory_space<hbm>>
        tpu.wait_dma2 semaphore(%run_scoped3A : memref<!tpu.dma_semaphore, #tpu.memory_space<semaphore_mem>>) src(%dma_wait3A_45 : memref<16x16xf32, #tpu.memory_space<hbm>>) dst(%dma_wait3A_42 : memref<16x16xf32, #tpu.memory_space<vmem_shared>>)
        tpu.yield
      }) : () -> ()
    } else {
    }
    "tpu.region"() ({
      %run_scoped3A = tpu.sem_alloc : memref<!tpu.dma_semaphore, #tpu.memory_space<semaphore_mem>>
      tpu.enqueue_dma source(%arg8 : memref<48x16xf32, #tpu.memory_space<hbm>>) target(%arg22 : memref<48x16xf32, #tpu.memory_space<vmem>>) target_semaphore(%run_scoped3A : memref<!tpu.dma_semaphore, #tpu.memory_space<semaphore_mem>>)
      tpu.wait_dma2 semaphore(%run_scoped3A : memref<!tpu.dma_semaphore, #tpu.memory_space<semaphore_mem>>) src(%arg8 : memref<48x16xf32, #tpu.memory_space<hbm>>) dst(%arg22 : memref<48x16xf32, #tpu.memory_space<vmem>>)
      tpu.yield
    }) : () -> ()
    %barrier3A = arith.constant 0 : index
    tpu.barrier barrier_id(%barrier3A)
    %add3A_7 = arith.constant 9984 : i32
    %add3A_8 = arith.addi %mul3A_4, %add3A_7 : i32
    "tpu.region"() ({
      %run_scoped3A = tpu.sem_alloc : memref<!tpu.dma_semaphore, #tpu.memory_space<semaphore_mem>>
      %dma_start3A_34 = tpu.memref_slice %arg3[%add3A_8] : memref<320000xi32, #tpu.memory_space<hbm>> -> memref<16xi32, #tpu.memory_space<hbm>>
      %dma_start3A_35 = tpu.memref_slice %arg3[%add3A_8] : memref<320000xi32, #tpu.memory_space<hbm>> -> memref<16xi32, #tpu.memory_space<hbm>>
      tpu.enqueue_dma source(%dma_start3A_35 : memref<16xi32, #tpu.memory_space<hbm>>) target(%arg16 : memref<16xi32, #tpu.memory_space<vmem>>) target_semaphore(%run_scoped3A : memref<!tpu.dma_semaphore, #tpu.memory_space<semaphore_mem>>)
      %dma_wait3A_36 = tpu.memref_slice %arg3[%add3A_8] : memref<320000xi32, #tpu.memory_space<hbm>> -> memref<16xi32, #tpu.memory_space<hbm>>
      %dma_wait3A_37 = tpu.memref_slice %arg3[%add3A_8] : memref<320000xi32, #tpu.memory_space<hbm>> -> memref<16xi32, #tpu.memory_space<hbm>>
      tpu.wait_dma2 semaphore(%run_scoped3A : memref<!tpu.dma_semaphore, #tpu.memory_space<semaphore_mem>>) src(%dma_wait3A_37 : memref<16xi32, #tpu.memory_space<hbm>>) dst(%arg16 : memref<16xi32, #tpu.memory_space<vmem>>)
      tpu.yield
    }) : () -> ()
    %add3A_9 = arith.constant 9984 : i32
    %add3A_10 = arith.addi %mul3A_4, %add3A_9 : i32
    "tpu.region"() ({
      %run_scoped3A = tpu.sem_alloc : memref<!tpu.dma_semaphore, #tpu.memory_space<semaphore_mem>>
      %dma_start3A_34 = tpu.memref_slice %arg2[%add3A_10] : memref<320000xi32, #tpu.memory_space<hbm>> -> memref<16xi32, #tpu.memory_space<hbm>>
      %dma_start3A_35 = tpu.memref_slice %arg2[%add3A_10] : memref<320000xi32, #tpu.memory_space<hbm>> -> memref<16xi32, #tpu.memory_space<hbm>>
      tpu.enqueue_dma source(%dma_start3A_35 : memref<16xi32, #tpu.memory_space<hbm>>) target(%arg17 : memref<16xi32, #tpu.memory_space<vmem>>) target_semaphore(%run_scoped3A : memref<!tpu.dma_semaphore, #tpu.memory_space<semaphore_mem>>)
      %dma_wait3A_36 = tpu.memref_slice %arg2[%add3A_10] : memref<320000xi32, #tpu.memory_space<hbm>> -> memref<16xi32, #tpu.memory_space<hbm>>
      %dma_wait3A_37 = tpu.memref_slice %arg2[%add3A_10] : memref<320000xi32, #tpu.memory_space<hbm>> -> memref<16xi32, #tpu.memory_space<hbm>>
      tpu.wait_dma2 semaphore(%run_scoped3A : memref<!tpu.dma_semaphore, #tpu.memory_space<semaphore_mem>>) src(%dma_wait3A_37 : memref<16xi32, #tpu.memory_space<hbm>>) dst(%arg17 : memref<16xi32, #tpu.memory_space<vmem>>)
      tpu.yield
    }) : () -> ()
    %dma_start3A = arith.constant 0 : i32
    %dma_start3A_11 = arith.constant 0 : i32
    %dma_start3A_12 = tpu.memref_slice %arg18[%dma_start3A, %dma_start3A_11] : memref<48x128xf32, #tpu.memory_space<vmem>> -> memref<16x128xf32, #tpu.memory_space<vmem>>
    %dma_start3A_13 = arith.constant 0 : i32
    %dma_start3A_14 = arith.constant 0 : i32
    %dma_start3A_15 = tpu.memref_slice %arg4[%dma_start3A_13, %dma_start3A_14] : memref<10000x128xf32, #tpu.memory_space<hbm>> -> memref<10000x128xf32, #tpu.memory_space<hbm>>
    tpu.enqueue_indirect_dma source(%dma_start3A_15 : memref<10000x128xf32, #tpu.memory_space<hbm>>) target(%dma_start3A_12 : memref<16x128xf32, #tpu.memory_space<vmem>>) offsets(%arg17 : memref<16xi32, #tpu.memory_space<vmem>>) semaphore(%arg25 : memref<!tpu.dma_semaphore, #tpu.memory_space<semaphore_mem>>)
    %add3A_16 = arith.constant 9984 : i32
    %add3A_17 = arith.addi %mul3A_4, %add3A_16 : i32
    "tpu.region"() ({
      %run_scoped3A = tpu.sem_alloc : memref<!tpu.dma_semaphore, #tpu.memory_space<semaphore_mem>>
      %dma_start3A_34 = arith.constant 0 : i32
      %dma_start3A_35 = arith.constant 0 : i32
      %dma_start3A_36 = tpu.memref_slice %arg20[%dma_start3A_34, %dma_start3A_35] : memref<48x128xf32, #tpu.memory_space<vmem>> -> memref<16x128xf32, #tpu.memory_space<vmem>>
      %dma_start3A_37 = arith.constant 0 : i32
      %dma_start3A_38 = tpu.memref_slice %arg5[%add3A_17, %dma_start3A_37] : memref<320000x128xf32, #tpu.memory_space<hbm>> -> memref<16x128xf32, #tpu.memory_space<hbm>>
      %dma_start3A_39 = arith.constant 0 : i32
      %dma_start3A_40 = arith.constant 0 : i32
      %dma_start3A_41 = tpu.memref_slice %arg20[%dma_start3A_39, %dma_start3A_40] : memref<48x128xf32, #tpu.memory_space<vmem>> -> memref<16x128xf32, #tpu.memory_space<vmem>>
      %dma_start3A_42 = arith.constant 0 : i32
      %dma_start3A_43 = tpu.memref_slice %arg5[%add3A_17, %dma_start3A_42] : memref<320000x128xf32, #tpu.memory_space<hbm>> -> memref<16x128xf32, #tpu.memory_space<hbm>>
      tpu.enqueue_dma source(%dma_start3A_43 : memref<16x128xf32, #tpu.memory_space<hbm>>) target(%dma_start3A_41 : memref<16x128xf32, #tpu.memory_space<vmem>>) target_semaphore(%run_scoped3A : memref<!tpu.dma_semaphore, #tpu.memory_space<semaphore_mem>>)
      %dma_wait3A_44 = arith.constant 0 : i32
      %dma_wait3A_45 = arith.constant 0 : i32
      %dma_wait3A_46 = tpu.memref_slice %arg20[%dma_wait3A_44, %dma_wait3A_45] : memref<48x128xf32, #tpu.memory_space<vmem>> -> memref<16x128xf32, #tpu.memory_space<vmem>>
      %dma_wait3A_47 = arith.constant 0 : i32
      %dma_wait3A_48 = tpu.memref_slice %arg5[%add3A_17, %dma_wait3A_47] : memref<320000x128xf32, #tpu.memory_space<hbm>> -> memref<16x128xf32, #tpu.memory_space<hbm>>
      %dma_wait3A_49 = arith.constant 0 : i32
      %dma_wait3A_50 = arith.constant 0 : i32
      %dma_wait3A_51 = tpu.memref_slice %arg20[%dma_wait3A_49, %dma_wait3A_50] : memref<48x128xf32, #tpu.memory_space<vmem>> -> memref<16x128xf32, #tpu.memory_space<vmem>>
      %dma_wait3A_52 = arith.constant 0 : i32
      %dma_wait3A_53 = tpu.memref_slice %arg5[%add3A_17, %dma_wait3A_52] : memref<320000x128xf32, #tpu.memory_space<hbm>> -> memref<16x128xf32, #tpu.memory_space<hbm>>
      tpu.wait_dma2 semaphore(%run_scoped3A : memref<!tpu.dma_semaphore, #tpu.memory_space<semaphore_mem>>) src(%dma_wait3A_53 : memref<16x128xf32, #tpu.memory_space<hbm>>) dst(%dma_wait3A_51 : memref<16x128xf32, #tpu.memory_space<vmem>>)
      tpu.yield
    }) : () -> ()
    %dma_wait3A = arith.constant 0 : i32
    %dma_wait3A_18 = arith.constant 0 : i32
    %dma_wait3A_19 = tpu.memref_slice %arg18[%dma_wait3A, %dma_wait3A_18] : memref<48x128xf32, #tpu.memory_space<vmem>> -> memref<16x128xf32, #tpu.memory_space<vmem>>
    %dma_wait3A_20 = arith.constant 0 : i32
    %dma_wait3A_21 = arith.constant 0 : i32
    %dma_wait3A_22 = tpu.memref_slice %arg4[%dma_wait3A_20, %dma_wait3A_21] : memref<10000x128xf32, #tpu.memory_space<hbm>> -> memref<10000x128xf32, #tpu.memory_space<hbm>>
    tpu.wait_indirect_dma semaphore(%arg25 : memref<!tpu.dma_semaphore, #tpu.memory_space<semaphore_mem>>) src(%dma_wait3A_22 : memref<10000x128xf32, #tpu.memory_space<hbm>>) dst(%dma_wait3A_19 : memref<16x128xf32, #tpu.memory_space<vmem>>)
    "tpu.region"() ({
      %run_scoped3A = tpu.sem_alloc : memref<!tpu.dma_semaphore, #tpu.memory_space<semaphore_mem>>
      %dma_start3A_34 = arith.constant 0 : i32
      %dma_start3A_35 = arith.constant 0 : i32
      %dma_start3A_36 = tpu.memref_slice %arg18[%dma_start3A_34, %dma_start3A_35] : memref<48x128xf32, #tpu.memory_space<vmem>> -> memref<16x128xf32, #tpu.memory_space<vmem>>
      %dma_start3A_37 = arith.constant 0 : i32
      %dma_start3A_38 = arith.constant 0 : i32
      %dma_start3A_39 = tpu.memref_slice %arg11[%dma_start3A_37, %dma_start3A_38] : memref<10000x128xf32, #tpu.memory_space<vmem_shared>> -> memref<10000x128xf32, #tpu.memory_space<vmem_shared>>
      tpu.enqueue_indirect_dma source(%dma_start3A_36 : memref<16x128xf32, #tpu.memory_space<vmem>>) target(%dma_start3A_39 : memref<10000x128xf32, #tpu.memory_space<vmem_shared>>) offsets(%arg16 : memref<16xi32, #tpu.memory_space<vmem>>) semaphore(%run_scoped3A : memref<!tpu.dma_semaphore, #tpu.memory_space<semaphore_mem>>) {add = true}
      %dma_wait3A_40 = arith.constant 0 : i32
      %dma_wait3A_41 = arith.constant 0 : i32
      %dma_wait3A_42 = tpu.memref_slice %arg18[%dma_wait3A_40, %dma_wait3A_41] : memref<48x128xf32, #tpu.memory_space<vmem>> -> memref<16x128xf32, #tpu.memory_space<vmem>>
      %dma_wait3A_43 = arith.constant 0 : i32
      %dma_wait3A_44 = arith.constant 0 : i32
      %dma_wait3A_45 = tpu.memref_slice %arg11[%dma_wait3A_43, %dma_wait3A_44] : memref<10000x128xf32, #tpu.memory_space<vmem_shared>> -> memref<10000x128xf32, #tpu.memory_space<vmem_shared>>
      tpu.wait_indirect_dma semaphore(%run_scoped3A : memref<!tpu.dma_semaphore, #tpu.memory_space<semaphore_mem>>) src(%dma_wait3A_42 : memref<16x128xf32, #tpu.memory_space<vmem>>) dst(%dma_wait3A_45 : memref<10000x128xf32, #tpu.memory_space<vmem_shared>>)
      tpu.yield
    }) : () -> ()
    "tpu.region"() ({
      %run_scoped3A = tpu.sem_alloc : memref<!tpu.dma_semaphore, #tpu.memory_space<semaphore_mem>>
      %dma_start3A_34 = arith.constant 0 : i32
      %dma_start3A_35 = arith.constant 0 : i32
      %dma_start3A_36 = tpu.memref_slice %arg20[%dma_start3A_34, %dma_start3A_35] : memref<48x128xf32, #tpu.memory_space<vmem>> -> memref<16x128xf32, #tpu.memory_space<vmem>>
      %dma_start3A_37 = arith.constant 0 : i32
      %dma_start3A_38 = arith.constant 0 : i32
      %dma_start3A_39 = tpu.memref_slice %arg11[%dma_start3A_37, %dma_start3A_38] : memref<10000x128xf32, #tpu.memory_space<vmem_shared>> -> memref<10000x128xf32, #tpu.memory_space<vmem_shared>>
      tpu.enqueue_indirect_dma source(%dma_start3A_36 : memref<16x128xf32, #tpu.memory_space<vmem>>) target(%dma_start3A_39 : memref<10000x128xf32, #tpu.memory_space<vmem_shared>>) offsets(%arg16 : memref<16xi32, #tpu.memory_space<vmem>>) semaphore(%run_scoped3A : memref<!tpu.dma_semaphore, #tpu.memory_space<semaphore_mem>>) {add = true}
      %dma_wait3A_40 = arith.constant 0 : i32
      %dma_wait3A_41 = arith.constant 0 : i32
      %dma_wait3A_42 = tpu.memref_slice %arg20[%dma_wait3A_40, %dma_wait3A_41] : memref<48x128xf32, #tpu.memory_space<vmem>> -> memref<16x128xf32, #tpu.memory_space<vmem>>
      %dma_wait3A_43 = arith.constant 0 : i32
      %dma_wait3A_44 = arith.constant 0 : i32
      %dma_wait3A_45 = tpu.memref_slice %arg11[%dma_wait3A_43, %dma_wait3A_44] : memref<10000x128xf32, #tpu.memory_space<vmem_shared>> -> memref<10000x128xf32, #tpu.memory_space<vmem_shared>>
      tpu.wait_indirect_dma semaphore(%run_scoped3A : memref<!tpu.dma_semaphore, #tpu.memory_space<semaphore_mem>>) src(%dma_wait3A_42 : memref<16x128xf32, #tpu.memory_space<vmem>>) dst(%dma_wait3A_45 : memref<10000x128xf32, #tpu.memory_space<vmem_shared>>)
      tpu.yield
    }) : () -> ()
    "tpu.region"() ({
      %run_scoped3A = tpu.sem_alloc : memref<!tpu.dma_semaphore, #tpu.memory_space<semaphore_mem>>
      %dma_start3A_34 = arith.constant 0 : i32
      %dma_start3A_35 = arith.constant 0 : i32
      %dma_start3A_36 = tpu.memref_slice %arg22[%dma_start3A_34, %dma_start3A_35] : memref<48x16xf32, #tpu.memory_space<vmem>> -> memref<16x16xf32, #tpu.memory_space<vmem>>
      %dma_start3A_37 = arith.constant 0 : i32
      %dma_start3A_38 = arith.constant 0 : i32
      %dma_start3A_39 = tpu.memref_slice %arg12[%dma_start3A_37, %dma_start3A_38] : memref<10000x16xf32, #tpu.memory_space<vmem_shared>> -> memref<10000x16xf32, #tpu.memory_space<vmem_shared>>
      tpu.enqueue_indirect_dma source(%dma_start3A_36 : memref<16x16xf32, #tpu.memory_space<vmem>>) target(%dma_start3A_39 : memref<10000x16xf32, #tpu.memory_space<vmem_shared>>) offsets(%arg16 : memref<16xi32, #tpu.memory_space<vmem>>) semaphore(%run_scoped3A : memref<!tpu.dma_semaphore, #tpu.memory_space<semaphore_mem>>) {add = true}
      %dma_wait3A_40 = arith.constant 0 : i32
      %dma_wait3A_41 = arith.constant 0 : i32
      %dma_wait3A_42 = tpu.memref_slice %arg22[%dma_wait3A_40, %dma_wait3A_41] : memref<48x16xf32, #tpu.memory_space<vmem>> -> memref<16x16xf32, #tpu.memory_space<vmem>>
      %dma_wait3A_43 = arith.constant 0 : i32
      %dma_wait3A_44 = arith.constant 0 : i32
      %dma_wait3A_45 = tpu.memref_slice %arg12[%dma_wait3A_43, %dma_wait3A_44] : memref<10000x16xf32, #tpu.memory_space<vmem_shared>> -> memref<10000x16xf32, #tpu.memory_space<vmem_shared>>
      tpu.wait_indirect_dma semaphore(%run_scoped3A : memref<!tpu.dma_semaphore, #tpu.memory_space<semaphore_mem>>) src(%dma_wait3A_42 : memref<16x16xf32, #tpu.memory_space<vmem>>) dst(%dma_wait3A_45 : memref<10000x16xf32, #tpu.memory_space<vmem_shared>>)
      tpu.yield
    }) : () -> ()
    %scan3A = arith.constant 0 : i32
    %scan3A_23 = arith.constant 0 : i32
    %scan3A_24 = arith.constant 105 : i32
    %scan3A_25 = arith.addi %scan3A_23, %scan3A_24 : i32
    %scan3A_26 = arith.constant 1 : i32
    scf.for %scan3A_34 = %scan3A_23 to %scan3A_25 step %scan3A_26  : i32 {
      %mul3A_35 = arith.constant 2 : i32
      %mul3A_36 = arith.muli %mul3A_35, %scan3A_34 : i32
      %add3A_37 = arith.constant 0 : i32
      %add3A_38 = arith.addi %mul3A_36, %add3A_37 : i32
      %ge3A = arith.constant 2 : i32
      %ge3A_39 = arith.cmpi sge, %add3A_38, %ge3A : i32
      %le3A = arith.constant 209 : i32
      %le3A_40 = arith.cmpi sle, %add3A_38, %le3A : i32
      %and3A = arith.andi %ge3A_39, %le3A_40 : i1
      %convert_element_type3A_41 = arith.extui %and3A : i1 to i32
      %cond3A_42 = arith.constant 0 : i32
      %cond3A_43 = arith.cmpi ne, %convert_element_type3A_41, %cond3A_42 : i32
      scf.if %cond3A_43 {
        %dma_wait3A_81 = arith.constant 0 : i32
        %dma_wait3A_82 = arith.constant 0 : i32
        %dma_wait3A_83 = tpu.memref_slice %arg11[%dma_wait3A_81, %dma_wait3A_82] : memref<10000x128xf32, #tpu.memory_space<vmem_shared>> -> memref<10000x128xf32, #tpu.memory_space<vmem_shared>>
        tpu.wait_indirect_dma semaphore(%arg29 : memref<!tpu.dma_semaphore, #tpu.memory_space<semaphore_mem>>) src(%arg18 : memref<48x128xf32, #tpu.memory_space<vmem>>) dst(%dma_wait3A_83 : memref<10000x128xf32, #tpu.memory_space<vmem_shared>>)
        %dma_wait3A_84 = arith.constant 0 : i32
        %dma_wait3A_85 = arith.constant 0 : i32
        %dma_wait3A_86 = tpu.memref_slice %arg11[%dma_wait3A_84, %dma_wait3A_85] : memref<10000x128xf32, #tpu.memory_space<vmem_shared>> -> memref<10000x128xf32, #tpu.memory_space<vmem_shared>>
        tpu.wait_indirect_dma semaphore(%arg29 : memref<!tpu.dma_semaphore, #tpu.memory_space<semaphore_mem>>) src(%arg20 : memref<48x128xf32, #tpu.memory_space<vmem>>) dst(%dma_wait3A_86 : memref<10000x128xf32, #tpu.memory_space<vmem_shared>>)
        %dma_wait3A_87 = arith.constant 0 : i32
        %dma_wait3A_88 = arith.constant 0 : i32
        %dma_wait3A_89 = tpu.memref_slice %arg12[%dma_wait3A_87, %dma_wait3A_88] : memref<10000x16xf32, #tpu.memory_space<vmem_shared>> -> memref<10000x16xf32, #tpu.memory_space<vmem_shared>>
        tpu.wait_indirect_dma semaphore(%arg29 : memref<!tpu.dma_semaphore, #tpu.memory_space<semaphore_mem>>) src(%arg22 : memref<48x16xf32, #tpu.memory_space<vmem>>) dst(%dma_wait3A_89 : memref<10000x16xf32, #tpu.memory_space<vmem_shared>>)
      } else {
      }
      %lt3A = arith.constant 208 : i32
      %lt3A_44 = arith.cmpi slt, %add3A_38, %lt3A : i32
      %convert_element_type3A_45 = arith.extui %lt3A_44 : i1 to i32
      %cond3A_46 = arith.constant 0 : i32
      %cond3A_47 = arith.cmpi ne, %convert_element_type3A_45, %cond3A_46 : i32
      scf.if %cond3A_47 {
        %mul3A_81 = arith.constant 48 : i32
        %mul3A_82 = arith.muli %add3A_38, %mul3A_81 : i32
        %add3A_83 = arith.addi %mul3A_4, %mul3A_82 : i32
        %dma_start3A_84 = tpu.memref_slice %arg3[%add3A_83] : memref<320000xi32, #tpu.memory_space<hbm>> -> memref<48xi32, #tpu.memory_space<hbm>>
        %dma_start3A_85 = tpu.memref_slice %arg3[%add3A_83] : memref<320000xi32, #tpu.memory_space<hbm>> -> memref<48xi32, #tpu.memory_space<hbm>>
        tpu.enqueue_dma source(%dma_start3A_85 : memref<48xi32, #tpu.memory_space<hbm>>) target(%arg14 : memref<48xi32, #tpu.memory_space<vmem>>) target_semaphore(%arg23 : memref<!tpu.dma_semaphore, #tpu.memory_space<semaphore_mem>>)
        %mul3A_86 = arith.constant 48 : i32
        %mul3A_87 = arith.muli %add3A_38, %mul3A_86 : i32
        %dma_start3A_88 = tpu.memref_slice %arg13[%mul3A_87] : memref<10000xi32, #tpu.memory_space<vmem>> -> memref<48xi32, #tpu.memory_space<vmem>>
        %dma_start3A_89 = arith.constant 0 : i32
        %dma_start3A_90 = arith.constant 0 : i32
        %dma_start3A_91 = tpu.memref_slice %arg4[%dma_start3A_89, %dma_start3A_90] : memref<10000x128xf32, #tpu.memory_space<hbm>> -> memref<10000x128xf32, #tpu.memory_space<hbm>>
        tpu.enqueue_indirect_dma source(%dma_start3A_91 : memref<10000x128xf32, #tpu.memory_space<hbm>>) target(%arg18 : memref<48x128xf32, #tpu.memory_space<vmem>>) offsets(%dma_start3A_88 : memref<48xi32, #tpu.memory_space<vmem>>) semaphore(%arg25 : memref<!tpu.dma_semaphore, #tpu.memory_space<semaphore_mem>>)
        %mul3A_92 = arith.constant 48 : i32
        %mul3A_93 = arith.muli %add3A_38, %mul3A_92 : i32
        %add3A_94 = arith.addi %mul3A_4, %mul3A_93 : i32
        %dma_start3A_95 = arith.constant 0 : i32
        %dma_start3A_96 = tpu.memref_slice %arg5[%add3A_94, %dma_start3A_95] : memref<320000x128xf32, #tpu.memory_space<hbm>> -> memref<48x128xf32, #tpu.memory_space<hbm>>
        %dma_start3A_97 = arith.constant 0 : i32
        %dma_start3A_98 = tpu.memref_slice %arg5[%add3A_94, %dma_start3A_97] : memref<320000x128xf32, #tpu.memory_space<hbm>> -> memref<48x128xf32, #tpu.memory_space<hbm>>
        tpu.enqueue_dma source(%dma_start3A_98 : memref<48x128xf32, #tpu.memory_space<hbm>>) target(%arg20 : memref<48x128xf32, #tpu.memory_space<vmem>>) target_semaphore(%arg27 : memref<!tpu.dma_semaphore, #tpu.memory_space<semaphore_mem>>)
      } else {
      }
      %ge3A_48 = arith.constant 1 : i32
      %ge3A_49 = arith.cmpi sge, %add3A_38, %ge3A_48 : i32
      %le3A_50 = arith.constant 208 : i32
      %le3A_51 = arith.cmpi sle, %add3A_38, %le3A_50 : i32
      %and3A_52 = arith.andi %ge3A_49, %le3A_51 : i1
      %convert_element_type3A_53 = arith.extui %and3A_52 : i1 to i32
      %cond3A_54 = arith.constant 0 : i32
      %cond3A_55 = arith.cmpi ne, %convert_element_type3A_53, %cond3A_54 : i32
      scf.if %cond3A_55 {
        %sub3A = arith.constant 1 : i32
        %sub3A_81 = arith.subi %add3A_38, %sub3A : i32
        %mul3A_82 = arith.constant 48 : i32
        %mul3A_83 = arith.muli %sub3A_81, %mul3A_82 : i32
        %add3A_84 = arith.addi %mul3A_4, %mul3A_83 : i32
        %dma_wait3A_85 = tpu.memref_slice %arg3[%add3A_84] : memref<320000xi32, #tpu.memory_space<hbm>> -> memref<48xi32, #tpu.memory_space<hbm>>
        %dma_wait3A_86 = tpu.memref_slice %arg3[%add3A_84] : memref<320000xi32, #tpu.memory_space<hbm>> -> memref<48xi32, #tpu.memory_space<hbm>>
        tpu.wait_dma2 semaphore(%arg24 : memref<!tpu.dma_semaphore, #tpu.memory_space<semaphore_mem>>) src(%dma_wait3A_86 : memref<48xi32, #tpu.memory_space<hbm>>) dst(%arg15 : memref<48xi32, #tpu.memory_space<vmem>>)
        %mul3A_87 = arith.constant 48 : i32
        %mul3A_88 = arith.muli %sub3A_81, %mul3A_87 : i32
        %dma_wait3A_89 = tpu.memref_slice %arg13[%mul3A_88] : memref<10000xi32, #tpu.memory_space<vmem>> -> memref<48xi32, #tpu.memory_space<vmem>>
        %dma_wait3A_90 = arith.constant 0 : i32
        %dma_wait3A_91 = arith.constant 0 : i32
        %dma_wait3A_92 = tpu.memref_slice %arg4[%dma_wait3A_90, %dma_wait3A_91] : memref<10000x128xf32, #tpu.memory_space<hbm>> -> memref<10000x128xf32, #tpu.memory_space<hbm>>
        tpu.wait_indirect_dma semaphore(%arg26 : memref<!tpu.dma_semaphore, #tpu.memory_space<semaphore_mem>>) src(%dma_wait3A_92 : memref<10000x128xf32, #tpu.memory_space<hbm>>) dst(%arg19 : memref<48x128xf32, #tpu.memory_space<vmem>>)
        %mul3A_93 = arith.constant 48 : i32
        %mul3A_94 = arith.muli %sub3A_81, %mul3A_93 : i32
        %add3A_95 = arith.addi %mul3A_4, %mul3A_94 : i32
        %dma_wait3A_96 = arith.constant 0 : i32
        %dma_wait3A_97 = tpu.memref_slice %arg5[%add3A_95, %dma_wait3A_96] : memref<320000x128xf32, #tpu.memory_space<hbm>> -> memref<48x128xf32, #tpu.memory_space<hbm>>
        %dma_wait3A_98 = arith.constant 0 : i32
        %dma_wait3A_99 = tpu.memref_slice %arg5[%add3A_95, %dma_wait3A_98] : memref<320000x128xf32, #tpu.memory_space<hbm>> -> memref<48x128xf32, #tpu.memory_space<hbm>>
        tpu.wait_dma2 semaphore(%arg28 : memref<!tpu.dma_semaphore, #tpu.memory_space<semaphore_mem>>) src(%dma_wait3A_99 : memref<48x128xf32, #tpu.memory_space<hbm>>) dst(%arg21 : memref<48x128xf32, #tpu.memory_space<vmem>>)
        %dma_start3A_100 = arith.constant 0 : i32
        %dma_start3A_101 = arith.constant 0 : i32
        %dma_start3A_102 = tpu.memref_slice %arg11[%dma_start3A_100, %dma_start3A_101] : memref<10000x128xf32, #tpu.memory_space<vmem_shared>> -> memref<10000x128xf32, #tpu.memory_space<vmem_shared>>
        tpu.enqueue_indirect_dma source(%arg19 : memref<48x128xf32, #tpu.memory_space<vmem>>) target(%dma_start3A_102 : memref<10000x128xf32, #tpu.memory_space<vmem_shared>>) offsets(%arg15 : memref<48xi32, #tpu.memory_space<vmem>>) semaphore(%arg30 : memref<!tpu.dma_semaphore, #tpu.memory_space<semaphore_mem>>) {add = true}
        %dma_start3A_103 = arith.constant 0 : i32
        %dma_start3A_104 = arith.constant 0 : i32
        %dma_start3A_105 = tpu.memref_slice %arg11[%dma_start3A_103, %dma_start3A_104] : memref<10000x128xf32, #tpu.memory_space<vmem_shared>> -> memref<10000x128xf32, #tpu.memory_space<vmem_shared>>
        tpu.enqueue_indirect_dma source(%arg21 : memref<48x128xf32, #tpu.memory_space<vmem>>) target(%dma_start3A_105 : memref<10000x128xf32, #tpu.memory_space<vmem_shared>>) offsets(%arg15 : memref<48xi32, #tpu.memory_space<vmem>>) semaphore(%arg30 : memref<!tpu.dma_semaphore, #tpu.memory_space<semaphore_mem>>) {add = true}
        %dma_start3A_106 = arith.constant 0 : i32
        %dma_start3A_107 = arith.constant 0 : i32
        %dma_start3A_108 = tpu.memref_slice %arg12[%dma_start3A_106, %dma_start3A_107] : memref<10000x16xf32, #tpu.memory_space<vmem_shared>> -> memref<10000x16xf32, #tpu.memory_space<vmem_shared>>
        tpu.enqueue_indirect_dma source(%arg22 : memref<48x16xf32, #tpu.memory_space<vmem>>) target(%dma_start3A_108 : memref<10000x16xf32, #tpu.memory_space<vmem_shared>>) offsets(%arg15 : memref<48xi32, #tpu.memory_space<vmem>>) semaphore(%arg30 : memref<!tpu.dma_semaphore, #tpu.memory_space<semaphore_mem>>) {add = true}
      } else {
      }
      %mul3A_56 = arith.constant 2 : i32
      %mul3A_57 = arith.muli %mul3A_56, %scan3A_34 : i32
      %add3A_58 = arith.constant 1 : i32
      %add3A_59 = arith.addi %mul3A_57, %add3A_58 : i32
      %ge3A_60 = arith.constant 2 : i32
      %ge3A_61 = arith.cmpi sge, %add3A_59, %ge3A_60 : i32
      %le3A_62 = arith.constant 209 : i32
      %le3A_63 = arith.cmpi sle, %add3A_59, %le3A_62 : i32
      %and3A_64 = arith.andi %ge3A_61, %le3A_63 : i1
      %convert_element_type3A_65 = arith.extui %and3A_64 : i1 to i32
      %cond3A_66 = arith.constant 0 : i32
      %cond3A_67 = arith.cmpi ne, %convert_element_type3A_65, %cond3A_66 : i32
      scf.if %cond3A_67 {
        %dma_wait3A_81 = arith.constant 0 : i32
        %dma_wait3A_82 = arith.constant 0 : i32
        %dma_wait3A_83 = tpu.memref_slice %arg11[%dma_wait3A_81, %dma_wait3A_82] : memref<10000x128xf32, #tpu.memory_space<vmem_shared>> -> memref<10000x128xf32, #tpu.memory_space<vmem_shared>>
        tpu.wait_indirect_dma semaphore(%arg30 : memref<!tpu.dma_semaphore, #tpu.memory_space<semaphore_mem>>) src(%arg19 : memref<48x128xf32, #tpu.memory_space<vmem>>) dst(%dma_wait3A_83 : memref<10000x128xf32, #tpu.memory_space<vmem_shared>>)
        %dma_wait3A_84 = arith.constant 0 : i32
        %dma_wait3A_85 = arith.constant 0 : i32
        %dma_wait3A_86 = tpu.memref_slice %arg11[%dma_wait3A_84, %dma_wait3A_85] : memref<10000x128xf32, #tpu.memory_space<vmem_shared>> -> memref<10000x128xf32, #tpu.memory_space<vmem_shared>>
        tpu.wait_indirect_dma semaphore(%arg30 : memref<!tpu.dma_semaphore, #tpu.memory_space<semaphore_mem>>) src(%arg21 : memref<48x128xf32, #tpu.memory_space<vmem>>) dst(%dma_wait3A_86 : memref<10000x128xf32, #tpu.memory_space<vmem_shared>>)
        %dma_wait3A_87 = arith.constant 0 : i32
        %dma_wait3A_88 = arith.constant 0 : i32
        %dma_wait3A_89 = tpu.memref_slice %arg12[%dma_wait3A_87, %dma_wait3A_88] : memref<10000x16xf32, #tpu.memory_space<vmem_shared>> -> memref<10000x16xf32, #tpu.memory_space<vmem_shared>>
        tpu.wait_indirect_dma semaphore(%arg30 : memref<!tpu.dma_semaphore, #tpu.memory_space<semaphore_mem>>) src(%arg22 : memref<48x16xf32, #tpu.memory_space<vmem>>) dst(%dma_wait3A_89 : memref<10000x16xf32, #tpu.memory_space<vmem_shared>>)
      } else {
      }
      %lt3A_68 = arith.constant 208 : i32
      %lt3A_69 = arith.cmpi slt, %add3A_59, %lt3A_68 : i32
      %convert_element_type3A_70 = arith.extui %lt3A_69 : i1 to i32
      %cond3A_71 = arith.constant 0 : i32
      %cond3A_72 = arith.cmpi ne, %convert_element_type3A_70, %cond3A_71 : i32
      scf.if %cond3A_72 {
        %mul3A_81 = arith.constant 48 : i32
        %mul3A_82 = arith.muli %add3A_59, %mul3A_81 : i32
        %add3A_83 = arith.addi %mul3A_4, %mul3A_82 : i32
        %dma_start3A_84 = tpu.memref_slice %arg3[%add3A_83] : memref<320000xi32, #tpu.memory_space<hbm>> -> memref<48xi32, #tpu.memory_space<hbm>>
        %dma_start3A_85 = tpu.memref_slice %arg3[%add3A_83] : memref<320000xi32, #tpu.memory_space<hbm>> -> memref<48xi32, #tpu.memory_space<hbm>>
        tpu.enqueue_dma source(%dma_start3A_85 : memref<48xi32, #tpu.memory_space<hbm>>) target(%arg15 : memref<48xi32, #tpu.memory_space<vmem>>) target_semaphore(%arg24 : memref<!tpu.dma_semaphore, #tpu.memory_space<semaphore_mem>>)
        %mul3A_86 = arith.constant 48 : i32
        %mul3A_87 = arith.muli %add3A_59, %mul3A_86 : i32
        %dma_start3A_88 = tpu.memref_slice %arg13[%mul3A_87] : memref<10000xi32, #tpu.memory_space<vmem>> -> memref<48xi32, #tpu.memory_space<vmem>>
        %dma_start3A_89 = arith.constant 0 : i32
        %dma_start3A_90 = arith.constant 0 : i32
        %dma_start3A_91 = tpu.memref_slice %arg4[%dma_start3A_89, %dma_start3A_90] : memref<10000x128xf32, #tpu.memory_space<hbm>> -> memref<10000x128xf32, #tpu.memory_space<hbm>>
        tpu.enqueue_indirect_dma source(%dma_start3A_91 : memref<10000x128xf32, #tpu.memory_space<hbm>>) target(%arg19 : memref<48x128xf32, #tpu.memory_space<vmem>>) offsets(%dma_start3A_88 : memref<48xi32, #tpu.memory_space<vmem>>) semaphore(%arg26 : memref<!tpu.dma_semaphore, #tpu.memory_space<semaphore_mem>>)
        %mul3A_92 = arith.constant 48 : i32
        %mul3A_93 = arith.muli %add3A_59, %mul3A_92 : i32
        %add3A_94 = arith.addi %mul3A_4, %mul3A_93 : i32
        %dma_start3A_95 = arith.constant 0 : i32
        %dma_start3A_96 = tpu.memref_slice %arg5[%add3A_94, %dma_start3A_95] : memref<320000x128xf32, #tpu.memory_space<hbm>> -> memref<48x128xf32, #tpu.memory_space<hbm>>
        %dma_start3A_97 = arith.constant 0 : i32
        %dma_start3A_98 = tpu.memref_slice %arg5[%add3A_94, %dma_start3A_97] : memref<320000x128xf32, #tpu.memory_space<hbm>> -> memref<48x128xf32, #tpu.memory_space<hbm>>
        tpu.enqueue_dma source(%dma_start3A_98 : memref<48x128xf32, #tpu.memory_space<hbm>>) target(%arg21 : memref<48x128xf32, #tpu.memory_space<vmem>>) target_semaphore(%arg28 : memref<!tpu.dma_semaphore, #tpu.memory_space<semaphore_mem>>)
      } else {
      }
      %ge3A_73 = arith.constant 1 : i32
      %ge3A_74 = arith.cmpi sge, %add3A_59, %ge3A_73 : i32
      %le3A_75 = arith.constant 208 : i32
      %le3A_76 = arith.cmpi sle, %add3A_59, %le3A_75 : i32
      %and3A_77 = arith.andi %ge3A_74, %le3A_76 : i1
      %convert_element_type3A_78 = arith.extui %and3A_77 : i1 to i32
      %cond3A_79 = arith.constant 0 : i32
      %cond3A_80 = arith.cmpi ne, %convert_element_type3A_78, %cond3A_79 : i32
      scf.if %cond3A_80 {
        %sub3A = arith.constant 1 : i32
        %sub3A_81 = arith.subi %add3A_59, %sub3A : i32
        %mul3A_82 = arith.constant 48 : i32
        %mul3A_83 = arith.muli %sub3A_81, %mul3A_82 : i32
        %add3A_84 = arith.addi %mul3A_4, %mul3A_83 : i32
        %dma_wait3A_85 = tpu.memref_slice %arg3[%add3A_84] : memref<320000xi32, #tpu.memory_space<hbm>> -> memref<48xi32, #tpu.memory_space<hbm>>
        %dma_wait3A_86 = tpu.memref_slice %arg3[%add3A_84] : memref<320000xi32, #tpu.memory_space<hbm>> -> memref<48xi32, #tpu.memory_space<hbm>>
        tpu.wait_dma2 semaphore(%arg23 : memref<!tpu.dma_semaphore, #tpu.memory_space<semaphore_mem>>) src(%dma_wait3A_86 : memref<48xi32, #tpu.memory_space<hbm>>) dst(%arg14 : memref<48xi32, #tpu.memory_space<vmem>>)
        %mul3A_87 = arith.constant 48 : i32
        %mul3A_88 = arith.muli %sub3A_81, %mul3A_87 : i32
        %dma_wait3A_89 = tpu.memref_slice %arg13[%mul3A_88] : memref<10000xi32, #tpu.memory_space<vmem>> -> memref<48xi32, #tpu.memory_space<vmem>>
        %dma_wait3A_90 = arith.constant 0 : i32
        %dma_wait3A_91 = arith.constant 0 : i32
        %dma_wait3A_92 = tpu.memref_slice %arg4[%dma_wait3A_90, %dma_wait3A_91] : memref<10000x128xf32, #tpu.memory_space<hbm>> -> memref<10000x128xf32, #tpu.memory_space<hbm>>
        tpu.wait_indirect_dma semaphore(%arg25 : memref<!tpu.dma_semaphore, #tpu.memory_space<semaphore_mem>>) src(%dma_wait3A_92 : memref<10000x128xf32, #tpu.memory_space<hbm>>) dst(%arg18 : memref<48x128xf32, #tpu.memory_space<vmem>>)
        %mul3A_93 = arith.constant 48 : i32
        %mul3A_94 = arith.muli %sub3A_81, %mul3A_93 : i32
        %add3A_95 = arith.addi %mul3A_4, %mul3A_94 : i32
        %dma_wait3A_96 = arith.constant 0 : i32
        %dma_wait3A_97 = tpu.memref_slice %arg5[%add3A_95, %dma_wait3A_96] : memref<320000x128xf32, #tpu.memory_space<hbm>> -> memref<48x128xf32, #tpu.memory_space<hbm>>
        %dma_wait3A_98 = arith.constant 0 : i32
        %dma_wait3A_99 = tpu.memref_slice %arg5[%add3A_95, %dma_wait3A_98] : memref<320000x128xf32, #tpu.memory_space<hbm>> -> memref<48x128xf32, #tpu.memory_space<hbm>>
        tpu.wait_dma2 semaphore(%arg27 : memref<!tpu.dma_semaphore, #tpu.memory_space<semaphore_mem>>) src(%dma_wait3A_99 : memref<48x128xf32, #tpu.memory_space<hbm>>) dst(%arg20 : memref<48x128xf32, #tpu.memory_space<vmem>>)
        %dma_start3A_100 = arith.constant 0 : i32
        %dma_start3A_101 = arith.constant 0 : i32
        %dma_start3A_102 = tpu.memref_slice %arg11[%dma_start3A_100, %dma_start3A_101] : memref<10000x128xf32, #tpu.memory_space<vmem_shared>> -> memref<10000x128xf32, #tpu.memory_space<vmem_shared>>
        tpu.enqueue_indirect_dma source(%arg18 : memref<48x128xf32, #tpu.memory_space<vmem>>) target(%dma_start3A_102 : memref<10000x128xf32, #tpu.memory_space<vmem_shared>>) offsets(%arg14 : memref<48xi32, #tpu.memory_space<vmem>>) semaphore(%arg29 : memref<!tpu.dma_semaphore, #tpu.memory_space<semaphore_mem>>) {add = true}
        %dma_start3A_103 = arith.constant 0 : i32
        %dma_start3A_104 = arith.constant 0 : i32
        %dma_start3A_105 = tpu.memref_slice %arg11[%dma_start3A_103, %dma_start3A_104] : memref<10000x128xf32, #tpu.memory_space<vmem_shared>> -> memref<10000x128xf32, #tpu.memory_space<vmem_shared>>
        tpu.enqueue_indirect_dma source(%arg20 : memref<48x128xf32, #tpu.memory_space<vmem>>) target(%dma_start3A_105 : memref<10000x128xf32, #tpu.memory_space<vmem_shared>>) offsets(%arg14 : memref<48xi32, #tpu.memory_space<vmem>>) semaphore(%arg29 : memref<!tpu.dma_semaphore, #tpu.memory_space<semaphore_mem>>) {add = true}
        %dma_start3A_106 = arith.constant 0 : i32
        %dma_start3A_107 = arith.constant 0 : i32
        %dma_start3A_108 = tpu.memref_slice %arg12[%dma_start3A_106, %dma_start3A_107] : memref<10000x16xf32, #tpu.memory_space<vmem_shared>> -> memref<10000x16xf32, #tpu.memory_space<vmem_shared>>
        tpu.enqueue_indirect_dma source(%arg22 : memref<48x16xf32, #tpu.memory_space<vmem>>) target(%dma_start3A_108 : memref<10000x16xf32, #tpu.memory_space<vmem_shared>>) offsets(%arg14 : memref<48xi32, #tpu.memory_space<vmem>>) semaphore(%arg29 : memref<!tpu.dma_semaphore, #tpu.memory_space<semaphore_mem>>) {add = true}
      } else {
      }
    }
    %scan3A_27 = arith.constant 105 : i32
    %barrier3A_28 = arith.constant 0 : index
    tpu.barrier barrier_id(%barrier3A_28)
    "tpu.region"() ({
      %run_scoped3A = tpu.sem_alloc : memref<!tpu.dma_semaphore, #tpu.memory_space<semaphore_mem>>
      %dma_start3A_34 = arith.constant 0 : i32
      %dma_start3A_35 = tpu.memref_slice %arg9[%arg0, %mul3A_2, %dma_start3A_34] : memref<2x10000x128xf32, #tpu.memory_space<hbm>> -> memref<1x624x128xf32, #tpu.memory_space<hbm>>
      %dma_start3A_36 = tpu.memref_squeeze %dma_start3A_35 : memref<1x624x128xf32, #tpu.memory_space<hbm>> -> memref<624x128xf32, #tpu.memory_space<hbm>>
      %dma_start3A_37 = arith.constant 0 : i32
      %dma_start3A_38 = tpu.memref_slice %arg11[%mul3A_2, %dma_start3A_37] : memref<10000x128xf32, #tpu.memory_space<vmem_shared>> -> memref<624x128xf32, #tpu.memory_space<vmem_shared>>
      tpu.enqueue_dma source(%dma_start3A_38 : memref<624x128xf32, #tpu.memory_space<vmem_shared>>) target(%dma_start3A_36 : memref<624x128xf32, #tpu.memory_space<hbm>>) target_semaphore(%run_scoped3A : memref<!tpu.dma_semaphore, #tpu.memory_space<semaphore_mem>>)
      %dma_wait3A_39 = arith.constant 0 : i32
      %dma_wait3A_40 = tpu.memref_slice %arg9[%arg0, %mul3A_2, %dma_wait3A_39] : memref<2x10000x128xf32, #tpu.memory_space<hbm>> -> memref<1x624x128xf32, #tpu.memory_space<hbm>>
      %dma_wait3A_41 = tpu.memref_squeeze %dma_wait3A_40 : memref<1x624x128xf32, #tpu.memory_space<hbm>> -> memref<624x128xf32, #tpu.memory_space<hbm>>
      %dma_wait3A_42 = arith.constant 0 : i32
      %dma_wait3A_43 = tpu.memref_slice %arg11[%mul3A_2, %dma_wait3A_42] : memref<10000x128xf32, #tpu.memory_space<vmem_shared>> -> memref<624x128xf32, #tpu.memory_space<vmem_shared>>
      tpu.wait_dma2 semaphore(%run_scoped3A : memref<!tpu.dma_semaphore, #tpu.memory_space<semaphore_mem>>) src(%dma_wait3A_43 : memref<624x128xf32, #tpu.memory_space<vmem_shared>>) dst(%dma_wait3A_41 : memref<624x128xf32, #tpu.memory_space<hbm>>)
      tpu.yield
    }) : () -> ()
    "tpu.region"() ({
      %run_scoped3A = tpu.sem_alloc : memref<!tpu.dma_semaphore, #tpu.memory_space<semaphore_mem>>
      %dma_start3A_34 = arith.constant 0 : i32
      %dma_start3A_35 = tpu.memref_slice %arg10[%arg0, %mul3A_2, %dma_start3A_34] : memref<2x10000x16xf32, #tpu.memory_space<hbm>> -> memref<1x624x16xf32, #tpu.memory_space<hbm>>
      %dma_start3A_36 = tpu.memref_squeeze %dma_start3A_35 : memref<1x624x16xf32, #tpu.memory_space<hbm>> -> memref<624x16xf32, #tpu.memory_space<hbm>>
      %dma_start3A_37 = arith.constant 0 : i32
      %dma_start3A_38 = tpu.memref_slice %arg12[%mul3A_2, %dma_start3A_37] : memref<10000x16xf32, #tpu.memory_space<vmem_shared>> -> memref<624x16xf32, #tpu.memory_space<vmem_shared>>
      tpu.enqueue_dma source(%dma_start3A_38 : memref<624x16xf32, #tpu.memory_space<vmem_shared>>) target(%dma_start3A_36 : memref<624x16xf32, #tpu.memory_space<hbm>>) target_semaphore(%run_scoped3A : memref<!tpu.dma_semaphore, #tpu.memory_space<semaphore_mem>>)
      %dma_wait3A_39 = arith.constant 0 : i32
      %dma_wait3A_40 = tpu.memref_slice %arg10[%arg0, %mul3A_2, %dma_wait3A_39] : memref<2x10000x16xf32, #tpu.memory_space<hbm>> -> memref<1x624x16xf32, #tpu.memory_space<hbm>>
      %dma_wait3A_41 = tpu.memref_squeeze %dma_wait3A_40 : memref<1x624x16xf32, #tpu.memory_space<hbm>> -> memref<624x16xf32, #tpu.memory_space<hbm>>
      %dma_wait3A_42 = arith.constant 0 : i32
      %dma_wait3A_43 = tpu.memref_slice %arg12[%mul3A_2, %dma_wait3A_42] : memref<10000x16xf32, #tpu.memory_space<vmem_shared>> -> memref<624x16xf32, #tpu.memory_space<vmem_shared>>
      tpu.wait_dma2 semaphore(%run_scoped3A : memref<!tpu.dma_semaphore, #tpu.memory_space<semaphore_mem>>) src(%dma_wait3A_43 : memref<624x16xf32, #tpu.memory_space<vmem_shared>>) dst(%dma_wait3A_41 : memref<624x16xf32, #tpu.memory_space<hbm>>)
      tpu.yield
    }) : () -> ()
    %eq3A_29 = arith.constant 15 : i32
    %eq3A_30 = arith.cmpi eq, %arg1, %eq3A_29 : i32
    %convert_element_type3A_31 = arith.extui %eq3A_30 : i1 to i32
    %cond3A_32 = arith.constant 0 : i32
    %cond3A_33 = arith.cmpi ne, %convert_element_type3A_31, %cond3A_32 : i32
    scf.if %cond3A_33 {
      "tpu.region"() ({
        %run_scoped3A = tpu.sem_alloc : memref<!tpu.dma_semaphore, #tpu.memory_space<semaphore_mem>>
        %dma_start3A_34 = arith.constant 9984 : i32
        %dma_start3A_35 = arith.constant 0 : i32
        %dma_start3A_36 = tpu.memref_slice %arg9[%arg0, %dma_start3A_34, %dma_start3A_35] : memref<2x10000x128xf32, #tpu.memory_space<hbm>> -> memref<1x16x128xf32, #tpu.memory_space<hbm>>
        %dma_start3A_37 = tpu.memref_squeeze %dma_start3A_36 : memref<1x16x128xf32, #tpu.memory_space<hbm>> -> memref<16x128xf32, #tpu.memory_space<hbm>>
        %dma_start3A_38 = arith.constant 9984 : i32
        %dma_start3A_39 = arith.constant 0 : i32
        %dma_start3A_40 = tpu.memref_slice %arg11[%dma_start3A_38, %dma_start3A_39] : memref<10000x128xf32, #tpu.memory_space<vmem_shared>> -> memref<16x128xf32, #tpu.memory_space<vmem_shared>>
        tpu.enqueue_dma source(%dma_start3A_40 : memref<16x128xf32, #tpu.memory_space<vmem_shared>>) target(%dma_start3A_37 : memref<16x128xf32, #tpu.memory_space<hbm>>) target_semaphore(%run_scoped3A : memref<!tpu.dma_semaphore, #tpu.memory_space<semaphore_mem>>)
        %dma_wait3A_41 = arith.constant 9984 : i32
        %dma_wait3A_42 = arith.constant 0 : i32
        %dma_wait3A_43 = tpu.memref_slice %arg9[%arg0, %dma_wait3A_41, %dma_wait3A_42] : memref<2x10000x128xf32, #tpu.memory_space<hbm>> -> memref<1x16x128xf32, #tpu.memory_space<hbm>>
        %dma_wait3A_44 = tpu.memref_squeeze %dma_wait3A_43 : memref<1x16x128xf32, #tpu.memory_space<hbm>> -> memref<16x128xf32, #tpu.memory_space<hbm>>
        %dma_wait3A_45 = arith.constant 9984 : i32
        %dma_wait3A_46 = arith.constant 0 : i32
        %dma_wait3A_47 = tpu.memref_slice %arg11[%dma_wait3A_45, %dma_wait3A_46] : memref<10000x128xf32, #tpu.memory_space<vmem_shared>> -> memref<16x128xf32, #tpu.memory_space<vmem_shared>>
        tpu.wait_dma2 semaphore(%run_scoped3A : memref<!tpu.dma_semaphore, #tpu.memory_space<semaphore_mem>>) src(%dma_wait3A_47 : memref<16x128xf32, #tpu.memory_space<vmem_shared>>) dst(%dma_wait3A_44 : memref<16x128xf32, #tpu.memory_space<hbm>>)
        tpu.yield
      }) : () -> ()
      "tpu.region"() ({
        %run_scoped3A = tpu.sem_alloc : memref<!tpu.dma_semaphore, #tpu.memory_space<semaphore_mem>>
        %dma_start3A_34 = arith.constant 9984 : i32
        %dma_start3A_35 = arith.constant 0 : i32
        %dma_start3A_36 = tpu.memref_slice %arg10[%arg0, %dma_start3A_34, %dma_start3A_35] : memref<2x10000x16xf32, #tpu.memory_space<hbm>> -> memref<1x16x16xf32, #tpu.memory_space<hbm>>
        %dma_start3A_37 = tpu.memref_squeeze %dma_start3A_36 : memref<1x16x16xf32, #tpu.memory_space<hbm>> -> memref<16x16xf32, #tpu.memory_space<hbm>>
        %dma_start3A_38 = arith.constant 9984 : i32
        %dma_start3A_39 = arith.constant 0 : i32
        %dma_start3A_40 = tpu.memref_slice %arg12[%dma_start3A_38, %dma_start3A_39] : memref<10000x16xf32, #tpu.memory_space<vmem_shared>> -> memref<16x16xf32, #tpu.memory_space<vmem_shared>>
        tpu.enqueue_dma source(%dma_start3A_40 : memref<16x16xf32, #tpu.memory_space<vmem_shared>>) target(%dma_start3A_37 : memref<16x16xf32, #tpu.memory_space<hbm>>) target_semaphore(%run_scoped3A : memref<!tpu.dma_semaphore, #tpu.memory_space<semaphore_mem>>)
        %dma_wait3A_41 = arith.constant 9984 : i32
        %dma_wait3A_42 = arith.constant 0 : i32
        %dma_wait3A_43 = tpu.memref_slice %arg10[%arg0, %dma_wait3A_41, %dma_wait3A_42] : memref<2x10000x16xf32, #tpu.memory_space<hbm>> -> memref<1x16x16xf32, #tpu.memory_space<hbm>>
        %dma_wait3A_44 = tpu.memref_squeeze %dma_wait3A_43 : memref<1x16x16xf32, #tpu.memory_space<hbm>> -> memref<16x16xf32, #tpu.memory_space<hbm>>
        %dma_wait3A_45 = arith.constant 9984 : i32
        %dma_wait3A_46 = arith.constant 0 : i32
        %dma_wait3A_47 = tpu.memref_slice %arg12[%dma_wait3A_45, %dma_wait3A_46] : memref<10000x16xf32, #tpu.memory_space<vmem_shared>> -> memref<16x16xf32, #tpu.memory_space<vmem_shared>>
        tpu.wait_dma2 semaphore(%run_scoped3A : memref<!tpu.dma_semaphore, #tpu.memory_space<semaphore_mem>>) src(%dma_wait3A_47 : memref<16x16xf32, #tpu.memory_space<vmem_shared>>) dst(%dma_wait3A_44 : memref<16x16xf32, #tpu.memory_space<hbm>>)
        tpu.yield
      }) : () -> ()
    } else {
    }
    return
  }
}

module attributes {stable_mosaic.version = 14 : i64} {
  func.func @_combine_body(%arg0: i32, %arg1: memref<1xf32, #tpu.memory_space<smem>>, %arg2: memref<1000x128xf32, #tpu.memory_space<vmem>>, %arg3: memref<2x1000x128xf32, #tpu.memory_space<vmem>>, %arg4: memref<2x1000x16xf32, #tpu.memory_space<vmem>>, %arg5: memref<1000x128xf32, #tpu.memory_space<vmem>>) attributes {dimension_semantics = [#tpu.dimension_semantics<arbitrary>], iteration_bounds = array<i64: 10>, scalar_prefetch = 0 : i64, scratch_operands = 0 : i64, tpu.core_type = #tpu.core_type<tc>, window_params = [{transform_indices = @transform_0, window_bounds = array<i64: 1>}, {transform_indices = @transform_1, window_bounds = array<i64: 1000, 128>}, {transform_indices = @transform_2, window_bounds = array<i64: 2, 1000, 128>}, {transform_indices = @transform_3, window_bounds = array<i64: 2, 1000, 16>}, {transform_indices = @transform_4, window_bounds = array<i64: 1000, 128>}]} {
    %get3A = arith.constant 0 : index
    %get3A_0 = arith.constant 0 : index
    %get3A_1 = arith.constant 0 : index
    %get3A_2 = vector.load %arg4[%get3A, %get3A_0, %get3A_1] : memref<2x1000x16xf32, #tpu.memory_space<vmem>>, vector<1x1000x1xf32>
    %get3A_3 = vector.shape_cast %get3A_2 : vector<1x1000x1xf32> to vector<1000x1xf32>
    %get3A_4 = arith.constant 1 : index
    %get3A_5 = arith.constant 0 : index
    %get3A_6 = arith.constant 0 : index
    %get3A_7 = vector.load %arg4[%get3A_4, %get3A_5, %get3A_6] : memref<2x1000x16xf32, #tpu.memory_space<vmem>>, vector<1x1000x1xf32>
    %get3A_8 = vector.shape_cast %get3A_7 : vector<1x1000x1xf32> to vector<1000x1xf32>
    %add3A = arith.addf %get3A_3, %get3A_8 : vector<1000x1xf32>
    %get3A_9 = arith.constant 0 : index
    %get3A_10 = arith.constant 0 : index
    %get3A_11 = arith.constant 0 : index
    %get3A_12 = vector.load %arg3[%get3A_9, %get3A_10, %get3A_11] : memref<2x1000x128xf32, #tpu.memory_space<vmem>>, vector<1x1000x128xf32>
    %get3A_13 = vector.shape_cast %get3A_12 : vector<1x1000x128xf32> to vector<1000x128xf32>
    %get3A_14 = arith.constant 1 : index
    %get3A_15 = arith.constant 0 : index
    %get3A_16 = arith.constant 0 : index
    %get3A_17 = vector.load %arg3[%get3A_14, %get3A_15, %get3A_16] : memref<2x1000x128xf32, #tpu.memory_space<vmem>>, vector<1x1000x128xf32>
    %get3A_18 = vector.shape_cast %get3A_17 : vector<1x1000x128xf32> to vector<1000x128xf32>
    %add3A_19 = arith.addf %get3A_13, %get3A_18 : vector<1000x128xf32>
    %max3A = arith.constant 1.000000e+00 : f32
    %max3A_20 = vector.broadcast %max3A : f32 to vector<1000x1xf32>
    %max3A_21 = arith.maximumf %add3A, %max3A_20 : vector<1000x1xf32>
    %div3A = vector.broadcast %max3A_21 : vector<1000x1xf32> to vector<1000x128xf32>
    %div3A_22 = arith.divf %add3A_19, %div3A : vector<1000x128xf32>
    %get3A_23 = arith.constant 0 : index
    %get3A_24 = memref.load %arg1[%get3A_23] : memref<1xf32, #tpu.memory_space<smem>>
    %add3A_25 = arith.constant 1.000000e+00 : f32
    %add3A_26 = arith.addf %add3A_25, %get3A_24 : f32
    %get3A_27 = arith.constant 0 : index
    %get3A_28 = arith.constant 0 : index
    %get3A_29 = vector.load %arg2[%get3A_27, %get3A_28] : memref<1000x128xf32, #tpu.memory_space<vmem>>, vector<1000x128xf32>
    %mul3A = vector.broadcast %add3A_26 : f32 to vector<1000x128xf32>
    %mul3A_30 = arith.mulf %mul3A, %get3A_29 : vector<1000x128xf32>
    %add3A_31 = arith.addf %mul3A_30, %div3A_22 : vector<1000x128xf32>
    %swap3A = arith.constant 0 : index
    %swap3A_32 = arith.constant 0 : index
    %swap3A_33 = vector.load %arg5[%swap3A, %swap3A_32] : memref<1000x128xf32, #tpu.memory_space<vmem>>, vector<1000x128xf32>
    tpu.vector_store %arg5[%swap3A, %swap3A_32], %add3A_31 {strides = array<i32>} : memref<1000x128xf32, #tpu.memory_space<vmem>>, vector<1000x128xf32>,
    return
  }
  func.func @transform_0(%arg0: i32) -> i32 {
    %c0_i32 = arith.constant 0 : i32
    %c0_i32_0 = arith.constant 0 : i32
    return %c0_i32 : i32
  }
  func.func @transform_1(%arg0: i32) -> (i32, i32) {
    %c0_i32 = arith.constant 0 : i32
    %c0_i32_0 = arith.constant 0 : i32
    return %arg0, %c0_i32 : i32, i32
  }
  func.func @transform_2(%arg0: i32) -> (i32, i32, i32) {
    %c0_i32 = arith.constant 0 : i32
    %c0_i32_0 = arith.constant 0 : i32
    %c0_i32_1 = arith.constant 0 : i32
    return %c0_i32, %arg0, %c0_i32_0 : i32, i32, i32
  }
  func.func @transform_3(%arg0: i32) -> (i32, i32, i32) {
    %c0_i32 = arith.constant 0 : i32
    %c0_i32_0 = arith.constant 0 : i32
    %c0_i32_1 = arith.constant 0 : i32
    return %c0_i32, %arg0, %c0_i32_0 : i32, i32, i32
  }
  func.func @transform_4(%arg0: i32) -> (i32, i32) {
    %c0_i32 = arith.constant 0 : i32
    %c0_i32_0 = arith.constant 0 : i32
    return %arg0, %c0_i32 : i32, i32
  }
}

</mosaic_0001>

<sc_bundles>
// kernel: kernel.4.cloned.1.call-start
scs
__scs_entry_jumppad:
0x0: {  	(pc) =	sbr.rel $0x88, $3  }
0x1: {  	(tag) =	ssettag $0x0;
	lr =	simm.s32 $0x1  }
0x2: {  	[smem:$0x3F9D] =	sst lr;
	_ =	strace $0xD0000000  }
0x3: {  	_ = 	snop  }
0x4: {  	_ = 	snop  }
0x5: {  	_ = 	snop  }
0x6: {  	_ = 	snop  }
0x7: {  	_ = 	snop  }
__scs_overlays_trampoline_lowered:
0x8: {  	[smem:$0x3FAC] =	sst s0  }
0x9: {  	[smem:$0x3FAD] =	sst s1  }
0xa: {  	[smem:$0x3FAE] =	sst s2  }
0xb: {  	[smem:$0x3FAF] =	sst s3  }
0xc: {  	[smem:$0x3FB0] =	sst s4  }
0xd: {  	[smem:$0x3FB1] =	sst s5  }
0xe: {  	[smem:$0x3FB2] =	sst s6  }
0xf: {  	[smem:$0x3FB3] =	sst s7  }
0x10: {  	[smem:$0x3FB4] =	sst s8  }
0x11: {  	[smem:$0x3FB5] =	sst s9;
	s0 =	simm.s32 @!p0 $0x0  }
0x12: {  	s1 =	sld [smem:$0x3F9B];
	s0 =	simm.s32 @p0 $0x1  }
0x13: {  	[smem:$0x3FB6] =	sst s0;
	s0 =	simm.s32 @!p1 $0x0  }
0x14: {  	s2 =	sld [smem:$0x3F9A];
	s0 =	simm.s32 @p1 $0x1  }
0x15: {  	[smem:$0x3FB7] =	sst s0;
	s0 =	simm.s32 @!p2 $0x0  }
0x16: {  	s3 =	sld [smem:$0x3FDB];
	s0 =	simm.s32 @p2 $0x1  }
0x17: {  	s4 =	simm.s32 $0x1BF5;
	[smem:$0x3FB9] =	sst s0  }
0x18: {  	s0 =	sld [smem:$0x3F9C];
	_ =	swait.ge [sflag:s4], $0x0  }
0x19: {  	s7 =	sld [smem:$0x3F9D]  }
0x1a: {  	s8 =	sadd.s32 $0xFFFFE003, lr  }
0x1b: {  	s9 =	sadd.s32 $0xFFFFFEF7, lr;
	s5 =	simm.s32 $0xFFFFFFFF;
	p2 =	slt.u32 s8, $0xFFFFF086  }
0x1c: {  	p1 =	slt.u32 s9, $0xF7A;
	s5 =	simm.s32 @!p2 $0x0  }
0x1d: {  	s5 =	simm.s32 @p1 $0x1;
	p0 =	seq.s32 s7, s2  }
0x1e: {  	s7 =	smul.u32 @!p0 $0xF7A, s2;
	p2 =	seq.s32 @!p0 s5, $0x0  }
0x1f: {  	s9 =	smul.u32 $0xF7A, s1;
	s8 =	simm.s32 @!p0 $0x1BF5;
	p2 =	por !p2, p0  }
0x20: {  	[sflag:s8] =	ssyncset.s32 @!p0 $0xFFFFF086;
	s6 =	sadd.s32 @!p0 s3, s7;
	s7 =	simm.s32 @!p0 $0x108  }
0x21: {  	s3 =	sadd.s32 s3, s9;
	s6 =	sadd.s32 @!p0 $0x88, s6;
	s7 =	simm.s32 @p2 $0x1082  }
0x22: {  	[simem:s7], [sflag:s8] =	dma.local @!p0 [hbm:s6], $0xF7A  }
0x23: {  	s9 =	sor.u32 $0xD0000000, s2;
	s6 =	simm.s32 $0x108;
	_ =	swait.ge @!p0 [sflag:s8], $0x0  }
0x24: {  	s3 =	sadd.s32 $0x88, s3;
	s6 =	simm.s32 @!p1 $0x1082;
	[sflag:s4] =	ssyncset.s32 $0xFFFFF086  }
0x25: {  	[simem:s6], [sflag:s4] =	dma.local [hbm:s3], $0xF7A  }
0x26: {  	[smem:$0x3F9D] =	sst s1;
	(tag) =	ssettag s2;
	_ =	strace s9  }
0x27: {  	s1 =	sld [smem:$0x3FAD]  }
0x28: {  	s2 =	sld [smem:$0x3FAE]  }
0x29: {  	s4 =	sld [smem:$0x3FB0]  }
0x2a: {  	p0 =	seq.s32 s5, $0x0;
	s5 =	sld [smem:$0x3FB1]  }
0x2b: {  	s6 =	sld [smem:$0x3FB2]  }
0x2c: {  	s7 =	sld [smem:$0x3FB3]  }
0x2d: {  	s3 =	simm.s32 $0x108;
	s8 =	sld [smem:$0x3FB4]  }
0x2e: {  	s3 =	simm.s32 @!p0 $0x1082;
	s9 =	sld [smem:$0x3FB5]  }
0x2f: {  	lr =	sadd.s32 s0, s3;
	s0 =	sld [smem:$0x3FAC]  }
0x30: {  	s3 =	sld [smem:$0x3FAF]  }
0x31: {  	[smem:$0x3FB8] =	sst s10  }
0x32: {  	s10 =	sld [smem:$0x3FB6];
	_ =	sdelay $0x3  }
0x33: {  	p0 =	seq.s32 s10, $0x1;
	s10 =	sld [smem:$0x3FB8];
	_ =	sdelay $0x3  }
0x34: {  	[smem:$0x3FB8] =	sst s10  }
0x35: {  	s10 =	sld [smem:$0x3FB7];
	_ =	sdelay $0x3  }
0x36: {  	p1 =	seq.s32 s10, $0x1;
	s10 =	sld [smem:$0x3FB8];
	_ =	sdelay $0x3  }
0x37: {  	[smem:$0x3FB8] =	sst s10  }
0x38: {  	s10 =	sld [smem:$0x3FB9]  }
0x39: {  	_ = 	snop;
	(pc) =	sbr.ind lr, $3  }
0x3a: {  	_ = 	snop  }
0x3b: {  	_ = 	snop  }
0x3c: {  	p2 =	seq.s32 s10, $0x1;
	s10 =	sld [smem:$0x3FB8]  }
0x3d: {  	_ =	shalt  }
0x3e: {  	_ =	shalt  }
0x3f: {  	_ =	shalt  }
0x40: {  	_ =	shalt  }
0x41: {  	_ =	shalt  }
0x42: {  	_ =	shalt  }
0x43: {  	_ =	shalt  }
0x44: {  	_ =	shalt  }
0x45: {  	_ =	shalt  }
0x46: {  	_ =	shalt  }
0x47: {  	_ =	shalt  }
0x48: {  	_ =	shalt  }
0x49: {  	_ =	shalt  }
0x4a: {  	_ =	shalt  }
0x4b: {  	_ =	shalt  }
0x4c: {  	_ =	shalt  }
0x4d: {  	_ =	shalt  }
0x4e: {  	_ =	shalt  }
0x4f: {  	_ =	shalt  }
0x50: {  	_ =	shalt  }
0x51: {  	_ =	shalt  }
0x52: {  	_ =	shalt  }
0x53: {  	_ =	shalt  }
0x54: {  	_ =	shalt  }
0x55: {  	_ =	shalt  }
0x56: {  	_ =	shalt  }
0x57: {  	_ =	shalt  }
0x58: {  	_ =	shalt  }
0x59: {  	_ =	shalt  }
0x5a: {  	_ =	shalt  }
0x5b: {  	_ =	shalt  }
0x5c: {  	_ =	shalt  }
0x5d: {  	_ =	shalt  }
0x5e: {  	_ =	shalt  }
0x5f: {  	_ =	shalt  }
0x60: {  	_ =	shalt  }
0x61: {  	_ =	shalt  }
0x62: {  	_ =	shalt  }
0x63: {  	_ =	shalt  }
0x64: {  	_ =	shalt  }
0x65: {  	_ =	shalt  }
0x66: {  	_ =	shalt  }
0x67: {  	_ =	shalt  }
0x68: {  	_ =	shalt  }
0x69: {  	_ =	shalt  }
0x6a: {  	_ =	shalt  }
0x6b: {  	_ =	shalt  }
0x6c: {  	_ =	shalt  }
0x6d: {  	_ =	shalt  }
0x6e: {  	_ =	shalt  }
0x6f: {  	_ =	shalt  }
0x70: {  	_ =	shalt  }
0x71: {  	_ =	shalt  }
0x72: {  	_ =	shalt  }
0x73: {  	_ =	shalt  }
0x74: {  	_ =	shalt  }
0x75: {  	_ =	shalt  }
0x76: {  	_ =	shalt  }
0x77: {  	_ =	shalt  }
0x78: {  	_ =	shalt  }
0x79: {  	_ =	shalt  }
0x7a: {  	_ =	shalt  }
0x7b: {  	_ =	shalt  }
0x7c: {  	_ =	shalt  }
0x7d: {  	_ =	shalt  }
0x7e: {  	_ =	shalt  }
0x7f: {  	_ =	shalt  }
0x80: {  	_ =	shalt  }
0x81: {  	_ =	shalt  }
0x82: {  	_ =	shalt  }
0x83: {  	_ =	shalt  }
0x84: {  	_ =	shalt  }
0x85: {  	_ =	shalt  }
0x86: {  	_ =	shalt  }
0x87: {  	_ =	shalt  }
.Lfunc_end0:
.L_simem_size_0:
called_computation_lowered:
.L_overlay_start_0:
0x88: {  	s2 =	sld [smem:$0x3FD9]  }
0x89: {  	s3 =	sld [smem:$0x3FFE];
	_ =	sdelay $0x1  }
0x8a: {  	s1 =	srdreg.scid  }
0x8b: {  	s0 =	sand.u32 $0x1, s1  }
0x8c: {  	s17 =	sshll.u32 s0, $0xA;
	s2 =	sadd.s32 s3, s2  }
0x8d: {  	s2 =	sadd.s32 s2, s17  }
0x8e: {  	[smem:$0x3FC4] =	sst s2  }
0x8f: {  	_ = 	snop  }
0x90: {  	s2 =	sld [smem:$0x3FC9]  }
0x91: {  	s18 =	sld [smem:$0x3FC8]  }
0x92: {  	s4 =	sld [smem:$0x3FD0];
	(tm) =	ssettm $0x1  }
0x93: {  	s5 =	sld [smem:$0x3FFB];
	_ =	sdelay $0x3  }
0x94: {  	_ =	strace s5  }
0x95: {  	s5 =	sld [smem:$0x3FFC];
	_ =	sdelay $0x3  }
0x96: {  	_ =	strace s5  }
0x97: {  	s5 =	sld [smem:$0x3FFD];
	_ =	sdelay $0x3  }
0x98: {  	_ =	strace s5  }
0x99: {  	_ =	strace $0x8FFFFFFF  }
0x9a: {  	s19 =	sld [smem:$0x3FDB];
	_ =	sdelay $0x1  }
0x9b: {  	s6 =	simm.s32 $_scs_section_size  }
0x9c: {  	s7 =	simm.s32 $_size__tile_overlayer_lowered;
	s8 =	simm.s32 $_tile_overlayer_lowered  }
0x9d: {  	s22 =	simm.s32 $0x1BFF;
	s21 =	sshll.u32 s8, $0x1;
	s5 =	sadd.s32 s6, s19  }
0x9e: {  	s9 =	simm.s32 $0x0;
	s20 =	sshll.u32 s7, $0x1;
	s7 =	sadd.s32 s21, s5  }
0x9f: {  	[timem:s9], [sflag:s22] =	dma.local [hbm:s7], s20  }
0xa0: {  	_ =	swait.ge [sflag:s22], s20  }
0xa1: {  	s6 =	ssub.s32 $0x0, s20;
	[sflag:s22] =	ssyncset.done $0x0  }
0xa2: {  	[sflag:s22] =	ssyncadd.s32 s6;
	_ =	sdelay $0x1  }
0xa3: {  	s23 =	simm.s32 $0x1B8B  }
0xa4: {  	_ =	swait.ge [sflag:s23], $0x1  }
0xa5: {  	[sflag:s23] =	ssyncset.done $0x0  }
0xa6: {  	s25 =	simm.s32 $0x1B8E;
	s24 =	sld [smem:$0x3FFE];
	[sflag:s23] =	ssyncadd.s32 $0xFFFFFFFF  }
0xa7: {  	s26 =	simm.s32 $execute0_lowered;
	[smem:$0x3FD2] =	sst s25  }
0xa8: {  	s7 =	sshll.u32 s26, $0x1;
	_ =	strace $0x80000046;
	[dreg:$0x1] =	wrdreg $0xFFFFFFFF  }
0xa9: {  	s28 =	simm.s32 $_size_execute0_lowered;
	s5 =	sadd.s32 s5, s7;
	[dreg:$0x0] =	wrdreg $0x0  }
0xaa: {  	s7 =	sshll.u32 s28, $0x1;
	[dreg:$0x2] =	wrdreg s5  }
0xab: {  	[dreg:$0x3] =	wrdreg s7  }
0xac: {  	[dreg:$0x4] =	wrdreg $0xC0  }
0xad: {  	_ =	task [dreg:s9], $0x5FFFF  }
0xae: {  	[dreg:$0x1] =	wrdreg $0xFFFFFFFF  }
0xaf: {  	[dreg:$0x0] =	wrdreg $0x60  }
0xb0: {  	[dreg:$0x2] =	wrdreg s24  }
0xb1: {  	[dreg:$0x3] =	wrdreg s4  }
0xb2: {  	[dreg:$0x4] =	wrdreg s2  }
0xb3: {  	[dreg:$0x5] =	wrdreg s18  }
0xb4: {  	[dreg:$0x6] =	wrdreg $0x0  }
0xb5: {  	[dreg:$0x7] =	wrdreg $0x138800  }
0xb6: {  	[dreg:$0x8] =	wrdreg $0x9  }
0xb7: {  	_ =	task.clear_ibuf [dreg:s9], $0x9FFFF;
	_ =	strace $0x90000046  }
0xb8: {  	s29 =	simm.s32 $0x9;
	_ =	strace $0x80000048  }
0xb9: {  	_ =	swait.ge [sflag:s29], $0x1  }
0xba: {  	[sflag:s29] =	ssyncadd.s32 $0xFFFFFFFF  }
0xbb: {  	_ =	strace $0x90000048  }
0xbc: {  	_ =	sfence  }
0xbd: {  	s30 =	sld [smem:$0x0];
	_ =	sdelay $0x2  }
0xbe: {  	s31 =	sshll.u32 s1, $0xD;
	s1 =	sshrl.u32 s1, $0x2  }
0xbf: {  	s3 =	sand.u32 $0x4000, s31;
	s1 =	sadd.s32 s1, s30  }
0xc0: {  	s0 =	sor.u32 s3, s0;
	s1 =	sshll.u32 s1, $0x11  }
0xc1: {  	s0 =	sor.u32 s1, s0  }
0xc2: {  	s0 =	sadd.s32 $0x8F2B, s0  }
0xc3: {  	[sflag:s0] =	ssyncadd.remote.s32 $0x1  }
0xc4: {  	_ =	sfence.sel $0xFFFF  }
0xc5: {  	[dreg:$0x0] =	wrdreg $0xFFFFFFFF;
	(pc) =	sbr.abs _section_cstart, $3  }
0xc6: {  	[dreg:$0x1] =	wrdreg $0xFFFFFFFF  }
0xc7: {  	_ =	task.clear_ibuf [dreg:s9], $0x2FFFF;
	_ =	strace $0x9FFFFFFF  }
0xc8: {  	(tm) =	ssettm $0x7FFFFFFF  }
0xc9: {  	_ =	shalt  }
tec
execute0_lowered:
.L_overlay_start_1:
0x0: {  	(tag) =	ssettag $0x1  }
0x1: {  	s0 =	rddreg [dreg:$0x0]  }
0x2: {  	s5 =	rddreg [dreg:$0x1]  }
0x3: {  	s1 =	rddreg [dreg:$0x2]  }
0x4: {  	s8 =	rddreg [dreg:$0x3]  }
0x5: {  	s2 =	rddreg [dreg:$0x4]  }
0x6: {  	s3 =	rddreg [dreg:$0x5]  }
0x7: {  	s4 =	simm.s32 $0x0;
	s6 =	srdreg.scid;
	s19 =	stileid.u32  }
0x8: {  	s28 =	simm.s32 $0x9;
	s30 =	simm.s32 $0x18700;
	[smem:$0x7FF] =	sst s4  }
0x9: {  	s9 =	sadd.s32 $0xA00, s0;
	s10 =	sand.u32 $0x1, s6;
	s15 =	smul.u32 $0x13800, s19  }
0xa: {  	s6 =	sadd.s32 $0xB000, s0;
	s7 =	sadd.s32 $0xAA00, s0;
	s22 =	smul.u32 $0x2700, s19  }
0xb: {  	s12 =	sadd.s32 $0xA800, s0;
	s31 =	sadd.s32 $0x17600, s0;
	s25 =	smul.u32 $0x2710, s19  }
0xc: {  	s0 =	sadd.s32 $0xD800, s0;
	p0 =	sne.s32 s19, $0xF;
	s16 =	smul.u32 $0x138800, s10  }
0xd: {  	_ =	strace $0x80000047;
	s11 =	sshll.u32 s10, $0x4;
	s17 =	smul.u32 $0x27100, s10  }
0xe: {  	[dreg:$0x7] =	wrdreg s12;
	s13 =	ssub.s32 $0x2, s10;
	s10 =	smul.u32 $0x271000, s10  }
0xf: {  	s11 =	sor.u32 s19, s11;
	s14 =	sshrl.u32 s13, $0x1;
	s21 =	sadd.s32 s15, s2  }
0x10: {  	s18 =	sadd.s32 s22, s3;
	s11 =	smul.u32 $0x2710, s11;
	[dreg:$0x9] =	wrdreg s21  }
0x11: {  	s13 =	ssub.s32 s13, s14;
	s15 =	sadd.s32 s15, s16;
	[dreg:$0xa] =	wrdreg s18  }
0x12: {  	s24 =	sshrl.u32 s16, $0x3;
	s26 =	sshrl.u32 s17, $0x3;
	s29 =	sadd.s32 s25, s17  }
0x13: {  	s21 =	sadd.s32 $0x138000, s2;
	s15 =	sshrl.u32 s15, $0x3;
	s12 =	sadd.s32 s31, s24  }
0x14: {  	[dreg:$0x10] =	wrdreg s21;
	s20 =	sshrl.u32 s11, $0x3;
	s11 =	sadd.s32 $0x2700, s11  }
0x15: {  	s15 =	sadd.s32 s31, s15;
	s31 =	smul.u32 $0x27100, s19;
	s14 =	sadd.s32 s9, s20  }
0x16: {  	s23 =	sshrl.u32 s11, $0x3;
	s11 =	sshll.u32 s11, $0x4;
	[dreg:$0xb] =	wrdreg s15  }
0x17: {  	s10 =	sadd.s32 s10, s8;
	[dreg:$0x8] =	wrdreg s14;
	s11 =	sadd.s32 s8, s11  }
0x18: {  	s24 =	sshrl.u32 s29, $0x3;
	s10 =	sadd.s32 s31, s10;
	[dreg:$0xd] =	wrdreg s11  }
0x19: {  	s14 =	sadd.s32 s22, s17;
	s22 =	sadd.s32 s9, s23;
	[dreg:$0xe] =	wrdreg s10  }
0x1a: {  	s17 =	sadd.s32 $0x30, s29;
	s23 =	sadd.s32 s5, s23;
	[dreg:$0x11] =	wrdreg s22  }
0x1b: {  	s29 =	sadd.s32 $0x27000, s12;
	s31 =	smax.u32 s13, $0x1;
	[dreg:$0x12] =	wrdreg s23  }
0x1c: {  	s9 =	simm.s32 $0x186D0;
	s14 =	sshrl.u32 s14, $0x3;
	[dreg:$0x16] =	wrdreg s29  }
0x1d: {  	s20 =	sshll.u32 s17, $0x4;
	[dreg:$0x18] =	wrdreg s31;
	s14 =	sadd.s32 s0, s14  }
0x1e: {  	s12 =	simm.s32 $0x1CF20;
	s8 =	sadd.s32 s20, s8;
	[dreg:$0xc] =	wrdreg s14  }
0x1f: {  	s0 =	sadd.s32 s0, s26;
	s26 =	sadd.s32 $0x27000, s3;
	[dreg:$0xf] =	wrdreg s8  }
0x20: {  	s25 =	sshrl.u32 s17, $0x3;
	s8 =	sadd.s32 s24, s5;
	[dreg:$0x15] =	wrdreg s26  }
0x21: {  	s13 =	simm.s32 $0x0;
	s5 =	sadd.s32 s25, s5;
	[dreg:$0x13] =	wrdreg s8  }
0x22: {  	s10 =	simm.s32 $0x30;
	s0 =	sadd.s32 $0x4E00, s0;
	[dreg:$0x14] =	wrdreg s5  }
0x23: {  	s11 =	simm.s32 $0x19F20;
	s26 =	simm.s32 $0x1B720;
	[dreg:$0x17] =	wrdreg s0  }
0x24: {  	s0 =	simm.s32 $0x10;
	s5 =	simm.s32 $0x18720;
	s8 =	simm.s32 $0x3  }
.LBB2_1:
0x25: {  	s14 =	rddreg [dreg:$0x8];
	s15 =	simm.s32 $0x15F90  }
0x26: {  	[tilespmem:s15], [sflag:$0x9] =	stream.linear.gather [hbm4b:s14+s4], $0x2710, $0x38;
	[tilespmem:$0x1EA20] =	vst v63  }
0x27: {  	s22 =	stileid.u32;
	_ =	swait.ge [sflag:s28], $0x2710  }
0x28: {  	s14 =	sshll.u32 s22, $0x6;
	[sflag:s28] =	ssyncset.done $0x0;
	s23 =	rddreg [dreg:$0x9]  }
0x29: {  	s14 =	sor.u32 $0x1C09, s14;
	[sflag:s28] =	ssyncadd.s32 $0xFFFFD8F0;
	s15 =	sshrl.u32 s23, $0x3  }
0x2a: {  	[spmem:s15], [sflag:s14] =	dma.local [hbm:s6], $0x2700  }
0x2b: {  	_ =	swait.ge [sflag:s28], $0x2700  }
0x2c: {  	[sflag:s28] =	ssyncset.done $0x0;
	s16 =	rddreg [dreg:$0xa]  }
0x2d: {  	[sflag:s28] =	ssyncadd.s32 $0xFFFFD900;
	s17 =	sshrl.u32 s16, $0x3  }
0x2e: {  	[spmem:s17], [sflag:s14] =	dma.local [hbm:s7], $0x4E0  }
0x2f: {  	_ =	swait.ge [sflag:s28], $0x4E0  }
0x30: {  	[sflag:s28] =	ssyncset.done $0x0;
	s16 =	rddreg [dreg:$0x10]  }
0x31: {  	s19 =	simm.s32 @!p0 $0x9;
	[sflag:s28] =	ssyncadd.s32 $0xFFFFFB20;
	s18 =	sshrl.u32 @!p0 s16, $0x3  }
0x32: {  	[spmem:s18], [sflag:s14] =	dma.local @!p0 [hbm:s6], $0x100  }
0x33: {  	_ =	swait.ge @!p0 [sflag:s19], $0x100  }
0x34: {  	[sflag:s19] =	ssyncset.done @!p0 $0x0;
	s16 =	rddreg [dreg:$0x15]  }
0x35: {  	[sflag:s19] =	ssyncadd.s32 @!p0 $0xFFFFFF00;
	s16 =	sshrl.u32 @!p0 s16, $0x3  }
0x36: {  	[spmem:s16], [sflag:s14] =	dma.local @!p0 [hbm:s7], $0x20  }
0x37: {  	_ =	swait.ge @!p0 [sflag:s19], $0x20  }
0x38: {  	[sflag:s19] =	ssyncset.done @!p0 $0x0  }
0x39: {  	s20 =	simm.s32 $0x1E720;
	s24 =	rddreg [dreg:$0x7];
	[sflag:s19] =	ssyncadd.s32 @!p0 $0xFFFFFFE0  }
0x3a: {  	[tilespmem:s20], [sflag:$0x9] =	stream.linear.gather [hbm4b:s24+s4], $0x300, $0x38;
	[tilespmem:$0x1EA20] =	vst v63  }
0x3b: {  	_ =	swait.ge [sflag:s28], $0x300  }
0x3c: {  	[sflag:s28] =	ssyncset.done $0x0  }
0x3d: {  	[sflag:s28] =	ssyncadd.s32 $0xFFFFFD00  }
0x3e: {  	[bflag:$0x0] =	sbarrier.arrive $0xFFFF  }
0x3f: {  	s25 =	rddreg [dreg:$0x12]  }
0x40: {  	[tilespmem:s30], [sflag:$0x9] =	stream.linear.gather [hbm4b:s25+s4], $0x10, $0x38;
	[tilespmem:$0x1EA20] =	vst v63  }
0x41: {  	_ =	swait.ge [sflag:s28], $0x10  }
0x42: {  	[sflag:s28] =	ssyncset.done $0x0  }
0x43: {  	s21 =	simm.s32 $0x18710;
	s29 =	rddreg [dreg:$0x11];
	[sflag:s28] =	ssyncadd.s32 $0xFFFFFFF0  }
0x44: {  	[tilespmem:s21], [sflag:$0x9] =	stream.linear.gather [hbm4b:s29+s4], $0x10, $0x38;
	[tilespmem:$0x1EA20] =	vst v63  }
0x45: {  	_ =	swait.ge [sflag:s28], $0x10  }
0x46: {  	[sflag:s28] =	ssyncset.done $0x0  }
0x47: {  	[sflag:s28] =	ssyncadd.s32 $0xFFFFFFF0  }
0x48: {  	[tilespmem:s5], [sflag:$0x3] =	stream.indirect.gather [hbm4b:s1+s0], $0x80, s21, s0, $0xb8;
	[tilespmem:$0x1EA20] =	vst v63  }
0x49: {  	s31 =	rddreg [dreg:$0xd]  }
0x4a: {  	[tilespmem:s26], [sflag:$0x9] =	stream.linear.gather [hbm4b:s31+s4], $0x800, $0x38;
	[tilespmem:$0x1EA20] =	vst v63  }
0x4b: {  	_ =	swait.ge [sflag:s28], $0x800  }
0x4c: {  	[sflag:s28] =	ssyncset.done $0x0  }
0x4d: {  	[sflag:s28] =	ssyncadd.s32 $0xFFFFF800  }
0x4e: {  	_ =	swait.ge [sflag:s8], $0x800  }
0x4f: {  	[sflag:s8] =	ssyncset.done $0x0  }
0x50: {  	[sflag:s8] =	ssyncadd.s32 $0xFFFFF800  }
0x51: {  	[spmem:s2] =	stream.indirect.scatter.add.f32 [tilespmem:s5], [sflag:$0x9], $0x80, s30, s0, $0xb8;
	[tilespmem:$0x1EA20] =	vst v63  }
0x52: {  	_ =	swait.ge [sflag:s28], $0x800  }
0x53: {  	[sflag:s28] =	ssyncset.done $0x0  }
0x54: {  	[sflag:s28] =	ssyncadd.s32 $0xFFFFF800  }
0x55: {  	[spmem:s2] =	stream.indirect.scatter.add.f32 [tilespmem:s26], [sflag:$0x9], $0x80, s30, s0, $0xb8;
	[tilespmem:$0x1EA20] =	vst v63  }
0x56: {  	_ =	swait.ge [sflag:s28], $0x800  }
0x57: {  	[sflag:s28] =	ssyncset.done $0x0  }
0x58: {  	[sflag:s28] =	ssyncadd.s32 $0xFFFFF800  }
0x59: {  	[spmem:s3] =	stream.indirect.scatter.add.f32 [tilespmem:s20], [sflag:$0x9], $0x10, s30, s0, $0xb8;
	[tilespmem:$0x1EA20] =	vst v63  }
0x5a: {  	_ =	swait.ge [sflag:s28], $0x100  }
0x5b: {  	s21 =	rddreg [dreg:$0x14]  }
0x5c: {  	s20 =	rddreg [dreg:$0xf]  }
0x5d: {  	s19 =	simm.s32 $0x1;
	[sflag:s28] =	ssyncset.done $0x0;
	s23 =	rddreg [dreg:$0x13]  }
0x5e: {  	s24 =	simm.s32 $0x15F90;
	s22 =	rddreg [dreg:$0xe];
	[sflag:s28] =	ssyncadd.s32 $0xFFFFFF00  }
.LBB2_2:
0x5f: {  	s25 =	sadd.s32 $0xFFFFFFFD, s19  }
0x60: {  	p1 =	sgt.u32 s25, $0xCF  }
0x61: {  	s25 =	simm.s32 @!p1 $0x7  }
0x62: {  	_ =	swait.ge @!p1 [sflag:s25], $0x1800  }
0x63: {  	[sflag:s25] =	ssyncset.done @!p1 $0x0  }
0x64: {  	[sflag:s25] =	ssyncadd.s32 @!p1 $0xFFFFE800  }
0x65: {  	_ =	swait.ge @!p1 [sflag:s25], $0x1800  }
0x66: {  	[sflag:s25] =	ssyncset.done @!p1 $0x0  }
0x67: {  	[sflag:s25] =	ssyncadd.s32 @!p1 $0xFFFFE800  }
0x68: {  	_ =	swait.ge @!p1 [sflag:s25], $0x300  }
0x69: {  	p2 =	seq.s32 s19, $0xD1;
	[sflag:s25] =	ssyncset.done @!p1 $0x0  }
0x6a: {  	s29 =	simm.s32 @!p2 $0x186A0;
	[sflag:s25] =	ssyncadd.s32 @!p1 $0xFFFFFD00;
	s25 =	simm.s32 @!p2 $0x0  }
0x6b: {  	[tilespmem:s29], [sflag:$0x1] =	stream.linear.gather @!p2 [hbm4b:s23+s25], $0x30, $0x38;
	[tilespmem:$0x1EA20] =	vst v63  }
0x6c: {  	s31 =	simm.s32 @!p2 $0x18720;
	s29 =	simm.s32 @!p2 $0x30  }
0x6d: {  	[tilespmem:s31], [sflag:$0x3] =	stream.indirect.gather @!p2 [hbm4b:s1+s29], $0x80, s24, s29, $0xb8;
	[tilespmem:$0x1EA20] =	vst v63  }
0x6e: {  	s29 =	simm.s32 @!p2 $0x1B720  }
0x6f: {  	[tilespmem:s29], [sflag:$0x5] =	stream.linear.gather @!p2 [hbm4b:s22+s25], $0x1800, $0x38;
	[tilespmem:$0x1EA20] =	vst v63  }
0x70: {  	s25 =	simm.s32 @!p1 $0x2  }
0x71: {  	_ =	swait.ge @!p1 [sflag:s25], $0x30  }
0x72: {  	[sflag:s25] =	ssyncset.done @!p1 $0x0  }
0x73: {  	[sflag:s25] =	ssyncadd.s32 @!p1 $0xFFFFFFD0;
	s25 =	simm.s32 @!p1 $0x4  }
0x74: {  	_ =	swait.ge @!p1 [sflag:s25], $0x1800  }
0x75: {  	[sflag:s25] =	ssyncset.done @!p1 $0x0  }
0x76: {  	[sflag:s25] =	ssyncadd.s32 @!p1 $0xFFFFE800;
	s25 =	simm.s32 @!p1 $0x6  }
0x77: {  	_ =	swait.ge @!p1 [sflag:s25], $0x1800  }
0x78: {  	s31 =	simm.s32 @!p1 $0x19F20;
	[sflag:s25] =	ssyncset.done @!p1 $0x0  }
0x79: {  	s29 =	simm.s32 @!p1 $0x186D0;
	[sflag:s25] =	ssyncadd.s32 @!p1 $0xFFFFE800;
	s25 =	simm.s32 @!p1 $0x30  }
0x7a: {  	[spmem:s2] =	stream.indirect.scatter.add.f32 @!p1 [tilespmem:s31], [sflag:$0x8], $0x80, s29, s25, $0xb8;
	[tilespmem:$0x1EA20] =	vst v63  }
0x7b: {  	s31 =	simm.s32 @!p1 $0x1CF20  }
0x7c: {  	[spmem:s2] =	stream.indirect.scatter.add.f32 @!p1 [tilespmem:s31], [sflag:$0x8], $0x80, s29, s25, $0xb8;
	[tilespmem:$0x1EA20] =	vst v63  }
0x7d: {  	s31 =	simm.s32 @!p1 $0x1E720  }
0x7e: {  	[spmem:s3] =	stream.indirect.scatter.add.f32 @!p1 [tilespmem:s31], [sflag:$0x8], $0x10, s29, s25, $0xb8;
	[tilespmem:$0x1EA20] =	vst v63  }
0x7f: {  	p1 =	seq.s32 s19, $0x1  }
0x80: {  	s25 =	simm.s32 @!p1 $0x8  }
0x81: {  	_ =	swait.ge @!p1 [sflag:s25], $0x1800  }
0x82: {  	[sflag:s25] =	ssyncset.done @!p1 $0x0  }
0x83: {  	[sflag:s25] =	ssyncadd.s32 @!p1 $0xFFFFE800  }
0x84: {  	_ =	swait.ge @!p1 [sflag:s25], $0x1800  }
0x85: {  	[sflag:s25] =	ssyncset.done @!p1 $0x0  }
0x86: {  	[sflag:s25] =	ssyncadd.s32 @!p1 $0xFFFFE800  }
0x87: {  	_ =	swait.ge @!p1 [sflag:s25], $0x300  }
0x88: {  	p2 =	seq.s32 @!p1 s19, $0xD1;
	[sflag:s25] =	ssyncset.done @!p1 $0x0  }
0x89: {  	p2 =	por p1, !p2;
	[sflag:s25] =	ssyncadd.s32 @!p1 $0xFFFFFD00  }
0x8a: {  	[tilespmem:s9], [sflag:$0x2] =	stream.linear.gather @p2 [hbm4b:s21+s4], $0x30, $0x38;
	[tilespmem:$0x1EA20] =	vst v63  }
0x8b: {  	s25 =	sadd.s32 @p2 $0x30, s24;
	p1 =	sgt.u32 s19, $0xD0  }
0x8c: {  	[tilespmem:s11], [sflag:$0x4] =	stream.indirect.gather @p2 [hbm4b:s1+s10], $0x80, s25, s10, $0xb8;
	[tilespmem:$0x1EA20] =	vst v63  }
0x8d: {  	s25 =	simm.s32 @!p1 $0x1  }
0x8e: {  	[tilespmem:s12], [sflag:$0x6] =	stream.linear.gather @p2 [hbm4b:s20+s4], $0x1800, $0x38;
	[tilespmem:$0x1EA20] =	vst v63  }
0x8f: {  	_ =	swait.ge @!p1 [sflag:s25], $0x30  }
0x90: {  	[sflag:s25] =	ssyncset.done @!p1 $0x0  }
0x91: {  	[sflag:s25] =	ssyncadd.s32 @!p1 $0xFFFFFFD0;
	s25 =	simm.s32 @!p1 $0x3  }
0x92: {  	_ =	swait.ge @!p1 [sflag:s25], $0x1800  }
0x93: {  	[sflag:s25] =	ssyncset.done @!p1 $0x0  }
0x94: {  	[sflag:s25] =	ssyncadd.s32 @!p1 $0xFFFFE800;
	s25 =	simm.s32 @!p1 $0x5  }
0x95: {  	_ =	swait.ge @!p1 [sflag:s25], $0x1800  }
0x96: {  	s29 =	simm.s32 @!p1 $0x186A0;
	[sflag:s25] =	ssyncset.done @!p1 $0x0  }
0x97: {  	s31 =	simm.s32 @!p1 $0x18720;
	[sflag:s25] =	ssyncadd.s32 @!p1 $0xFFFFE800;
	s25 =	simm.s32 @!p1 $0x30  }
0x98: {  	[spmem:s2] =	stream.indirect.scatter.add.f32 @!p1 [tilespmem:s31], [sflag:$0x7], $0x80, s29, s25, $0xb8;
	[tilespmem:$0x1EA20] =	vst v63  }
0x99: {  	s31 =	simm.s32 @!p1 $0x1B720  }
0x9a: {  	[spmem:s2] =	stream.indirect.scatter.add.f32 @!p1 [tilespmem:s31], [sflag:$0x7], $0x80, s29, s25, $0xb8;
	[tilespmem:$0x1EA20] =	vst v63  }
0x9b: {  	s19 =	sadd.s32 $0x2, s19;
	s31 =	simm.s32 @!p1 $0x1E720  }
0x9c: {  	[spmem:s3] =	stream.indirect.scatter.add.f32 @!p1 [tilespmem:s31], [sflag:$0x7], $0x10, s29, s25, $0xb8;
	[tilespmem:$0x1EA20] =	vst v63  }
0x9d: {  	p1 =	sne.s32 s19, $0xD3  }
.Ltmp0:
0x9e: {  	_ = 	snop;
	(pc) =	sbr.rel @p1 .LBB2_2-.Ltmp0, $3  }
0x9f: {  	_ =	sdelay $0x1  }
0xa0: {  	s23 =	sadd.s32 $0xC, s23;
	s22 =	sadd.s32 $0x600, s22  }
0xa1: {  	s24 =	sadd.s32 $0x60, s24;
	s21 =	sadd.s32 $0xC, s21;
	s20 =	sadd.s32 $0x600, s20  }
0xa2: {  	[bflag:$0x0] =	sbarrier.arrive $0xFFFF  }
0xa3: {  	s19 =	rddreg [dreg:$0xb]  }
0xa4: {  	[hbm:s19], [sflag:s14] =	dma.local [spmem:s15], $0x2700  }
0xa5: {  	_ =	swait.ge [sflag:s28], $0x2700  }
0xa6: {  	[sflag:s28] =	ssyncset.done $0x0  }
0xa7: {  	s29 =	rddreg [dreg:$0xc];
	[sflag:s28] =	ssyncadd.s32 $0xFFFFD900  }
0xa8: {  	[hbm:s29], [sflag:s14] =	dma.local [spmem:s17], $0x4E0  }
0xa9: {  	_ =	swait.ge [sflag:s28], $0x4E0  }
0xaa: {  	[sflag:s28] =	ssyncset.done $0x0  }
0xab: {  	s15 =	rddreg [dreg:$0x16];
	[sflag:s28] =	ssyncadd.s32 $0xFFFFFB20  }
0xac: {  	[hbm:s15], [sflag:s14] =	dma.local @!p0 [spmem:s18], $0x100  }
0xad: {  	s15 =	simm.s32 @!p0 $0x9  }
0xae: {  	_ =	swait.ge @!p0 [sflag:s15], $0x100  }
0xaf: {  	[sflag:s15] =	ssyncset.done @!p0 $0x0  }
0xb0: {  	s17 =	rddreg [dreg:$0x17];
	[sflag:s15] =	ssyncadd.s32 @!p0 $0xFFFFFF00  }
0xb1: {  	[hbm:s17], [sflag:s14] =	dma.local @!p0 [spmem:s16], $0x20  }
0xb2: {  	_ =	swait.ge @!p0 [sflag:s15], $0x20  }
0xb3: {  	s13 =	sadd.s32 $0x1, s13;
	s31 =	rddreg [dreg:$0x18]  }
0xb4: {  	p1 =	sne.s32 s13, s31  }
.Ltmp1:
0xb5: {  	_ = 	snop;
	(pc) =	sbr.rel @p1 .LBB2_1-.Ltmp1, $3  }
0xb6: {  	_ =	sdelay $0x1  }
0xb7: {  	[sflag:s15] =	ssyncset.done @!p0 $0x0  }
0xb8: {  	[sflag:s15] =	ssyncadd.s32 @!p0 $0xFFFFFFE0  }
0xb9: {  	_ =	sfence.sel $0x180000  }
0xba: {  	[bflag:$0x0] =	sbarrier.arrive $0xFFFF  }
0xbb: {  	_ =	strace $0x90000047  }
0xbc: {  	s0 =	stileid.u32;
	[bflag:$0x2] =	sbarrier.arrive $0xFFFF  }
0xbd: {  	p0 =	sne.s32 s0, $0x0;
	s0 =	rddreg [dreg:$0x6]  }
0xbe: {  	s0 =	sadd.s32 @!p0 $0x100000, s0  }
0xbf: {  	[sflag:s0] =	ssyncadd.tile.s32 @!p0 $0x1;
	_ =	shalt  }
.Lfunc_end2:
_tile_overlayer_lowered:
.L_overlay_start_2:
0xc0: {  	(tag) =	ssettag $0x2  }
0xc1: {  	s0 =	rddreg [dreg:$0x0];
	s2 =	stileid.u32  }
0xc2: {  	s1 =	rddreg [dreg:$0x1];
	p0 =	sne.s32 s2, $0x0  }
0xc3: {  	s3 =	rddreg [dreg:$0x2];
	[bflag:$0x3] =	sbarrier.arrive $0xFFFF;
	s2 =	simm.s32 @!p0 $0x1C09  }
0xc4: {  	[timem:s3], [sflag:s2] =	dma.local @!p0 [hbm:s0], s1  }
0xc5: {  	s0 =	simm.s32 @!p0 $0x9  }
0xc6: {  	_ =	swait.ge @!p0 [sflag:s0], s1  }
0xc7: {  	s1 =	ssub.s32 @!p0 $0x0, s1;
	[sflag:s0] =	ssyncset.done @!p0 $0x0  }
0xc8: {  	[sflag:s0] =	ssyncadd.s32 @!p0 s1  }
0xc9: {  	[bflag:$0x3] =	sbarrier.arrive $0xFFFF  }
0xca: {  	_ =	shalt  }

</sc_bundles>
